<compile_context>
chip_gen: v7x
topology: tpu7x:2x2x1
jax: 0.10.2.dev20260603
libtpu: 0.0.44.dev20260713+nightly
codegen_flags: <defaults>
</compile_context>

<pallas_src>
import functools

import jax
import jax.numpy as jnp
from jax import lax
from jax.experimental import pallas as pl
from jax.experimental.pallas import tpu as pltpu
from jax.experimental.pallas import tpu_sc as plsc

_B, _N, _DIM = 16, 1024, 384
_CB_SIZE, _CB_DIM = 1024, 32
_LN_EPS = 1e-5
_TOK = _B * _N
_BLK = 4096
_GRID = _TOK // _BLK
_LOSS_SCALE = 1.25 / (_TOK * _CB_DIM)


def _vq_tc_body(x_ref, g_ref, bn_ref, w1_ref, b1_ref, w2_ref, b2_ref, e_ref,
                idx_ref, pw_ref, loss_ref):
    i = pl.program_id(0)
    x = x_ref[...]
    mu = jnp.mean(x, axis=1, keepdims=True)
    var = jnp.mean((x - mu) ** 2, axis=1, keepdims=True)
    xn = (x - mu) / jnp.sqrt(var + _LN_EPS) * g_ref[...] + bn_ref[...]
    a = 0.5 * xn * (1.0 + lax.erf(xn * (2.0 ** -0.5)))
    z = lax.dot_general(a, w1_ref[...], (((1,), (0,)), ((), ())),
                        preferred_element_type=jnp.float32) + b1_ref[...]
    e = e_ref[...]
    e_sq = jnp.sum(e * e, axis=1, keepdims=True)
    e_aug = jnp.concatenate([e, -0.5 * e_sq], axis=1)
    z_sq = jnp.sum(z * z, axis=1, keepdims=True)
    z_aug = jnp.concatenate([z, jnp.ones_like(z_sq)], axis=1)
    u = lax.dot_general(e_aug, z_aug, (((1,), (1,)), ((), ())),
                        preferred_element_type=jnp.float32)
    u3 = u.reshape(_CB_SIZE // 8, 8, _BLK)
    acc_v = u3[0]
    acc_r = jnp.zeros((8, _BLK), jnp.float32)
    for r in range(1, _CB_SIZE // 8):
        v = u3[r]
        better = v > acc_v
        acc_v = jnp.maximum(acc_v, v)
        acc_r = jnp.where(better, jnp.float32(r), acc_r)
    acc_s = lax.broadcasted_iota(jnp.int32, (8, _BLK), 0).astype(jnp.float32)
    w = 8
    while w > 1:
        w //= 2
        av, bv = acc_v[:w], acc_v[w:]
        ar, br = acc_r[:w], acc_r[w:]
        as_, bs = acc_s[:w], acc_s[w:]
        take_b = (bv > av) | ((bv == av) & ((br < ar) | ((br == ar) & (bs < as_))))
        acc_v = jnp.where(take_b, bv, av)
        acc_r = jnp.where(take_b, br, ar)
        acc_s = jnp.where(take_b, bs, as_)
    idxf = acc_r * 8.0 + acc_s
    idx_ref[0, 0, :] = idxf.astype(jnp.int32).reshape(_BLK)
    dmin_sum = jnp.sum(z_sq) - 2.0 * jnp.sum(acc_v)

    @pl.when(i == 0)
    def _():
        loss_ref[...] = jnp.zeros((1, 1), jnp.float32)
        pw_ref[...] = lax.dot_general(e, w2_ref[...], (((1,), (0,)), ((), ())),
                                      preferred_element_type=jnp.float32) + b2_ref[...]

    loss_ref[...] += dmin_sum.reshape(1, 1)

    @pl.when(i == _GRID - 1)
    def _():
        loss_ref[...] = loss_ref[...] * _LOSS_SCALE


def _vq_tc(x2, ln_g, ln_b, W1, b1, W2, b2, embed):
    full = lambda shape: pl.BlockSpec(shape, lambda i: (0,) * len(shape))
    return pl.pallas_call(
        _vq_tc_body,
        grid=(_GRID,),
        in_specs=[
            pl.BlockSpec((_BLK, _DIM), lambda i: (i, 0)),
            full((1, _DIM)),
            full((1, _DIM)),
            full((_DIM, _CB_DIM)),
            full((1, _CB_DIM)),
            full((_CB_DIM, _DIM)),
            full((1, _DIM)),
            full((_CB_SIZE, _CB_DIM)),
        ],
        out_specs=[
            pl.BlockSpec((1, 1, _BLK), lambda i: (i, 0, 0)),
            full((_CB_SIZE, _DIM)),
            full((1, 1)),
        ],
        out_shape=[
            jax.ShapeDtypeStruct((_GRID, 1, _BLK), jnp.int32),
            jax.ShapeDtypeStruct((_CB_SIZE, _DIM), jnp.float32),
            jax.ShapeDtypeStruct((1, 1), jnp.float32),
        ],
    )(x2, ln_g, ln_b, W1, b1, W2, b2, embed)


_CHUNK = 128


def _sc_gather(table, idx):
    info = plsc.get_sparse_core_info()
    nw = info.num_cores * info.num_subcores
    bpw = _TOK // nw
    mesh = plsc.VectorSubcoreMesh(core_axis_name="c", subcore_axis_name="s")

    nch = bpw // _CHUNK

    @functools.partial(
        pl.kernel, mesh=mesh,
        out_type=jax.ShapeDtypeStruct((_TOK, _DIM), jnp.float32),
        scratch_types=[
            pltpu.VMEM((bpw,), jnp.int32),
            pltpu.VMEM((_CHUNK, _DIM), jnp.float32),
            pltpu.VMEM((_CHUNK, _DIM), jnp.float32),
            pltpu.SemaphoreType.DMA,
        ],
    )
    def k(table_hbm, idx_hbm, out_hbm, idx_v, rows_a, rows_b, gsem):
        wid = lax.axis_index("s") * info.num_cores + lax.axis_index("c")
        base = wid * bpw
        pltpu.sync_copy(idx_hbm.at[pl.ds(base, bpw)], idx_v)
        bufs = (rows_a, rows_b)
        pend = [None] * nch
        pend[0] = pltpu.async_copy(
            table_hbm.at[idx_v.at[pl.ds(0, _CHUNK)]], bufs[0], gsem)
        for c in range(nch):
            pend[c].wait()
            if c + 1 < nch:
                pend[c + 1] = pltpu.async_copy(
                    table_hbm.at[idx_v.at[pl.ds((c + 1) * _CHUNK, _CHUNK)]],
                    bufs[(c + 1) % 2], gsem)
            pltpu.sync_copy(bufs[c % 2], out_hbm.at[pl.ds(base + c * _CHUNK, _CHUNK)])

    return k(table, idx)


def kernel(x, ln_g, ln_b, W1, b1, W2, b2, embed):
    x2 = x.reshape(_TOK, _DIM)
    idx3, pw2, loss = _vq_tc(
        x2, ln_g.reshape(1, _DIM), ln_b.reshape(1, _DIM),
        W1, b1.reshape(1, _CB_DIM), W2, b2.reshape(1, _DIM), embed)
    idx_flat = idx3.reshape(_TOK)
    quantized = _sc_gather(pw2, idx_flat).reshape(_B, _N, _DIM)
    return quantized, idx3.reshape(_B, _N), loss[0, 0]

# --- scband reference (transcript-rebuilt; emitter-appended) ---
"""Pipeline reference for scband-vector-quantizer-fixed-52261162057757 (READ-ONLY COPY).

The authoritative reference and input builder live on the scoring server;
editing this copy changes nothing except your own understanding.
"""

import jax, jax.numpy as jnp
import numpy as np

B, N, DIM = 16, 1024, 384
CB_SIZE, CB_DIM = 1024, 32
CODEBOOK_COST, COMMIT_COST = 0.25, 1.0
LN_EPS = 1e-5


def setup_inputs(seed: int = 0) -> dict:
    key = jax.random.key(seed)
    ks = jax.random.split(key, 5)
    x = jax.random.normal(ks[0], (B, N, DIM), dtype=jnp.float32)
    ln_g = jnp.ones((DIM,), dtype=jnp.float32)
    ln_b = jnp.zeros((DIM,), dtype=jnp.float32)
    W1 = jax.random.normal(ks[1], (DIM, CB_DIM), dtype=jnp.float32) / np.sqrt(DIM)
    b1 = jnp.zeros((CB_DIM,), dtype=jnp.float32)
    W2 = jax.random.normal(ks[2], (CB_DIM, DIM), dtype=jnp.float32) / np.sqrt(CB_DIM)
    b2 = jnp.zeros((DIM,), dtype=jnp.float32)
    embed = jax.random.normal(ks[3], (CB_SIZE, CB_DIM), dtype=jnp.float32)
    embed = embed / jnp.linalg.norm(embed, axis=1, keepdims=True) * (CB_DIM ** 0.5)
    return {"x": x, "ln_g": ln_g, "ln_b": ln_b, "W1": W1, "b1": b1, "W2": W2, "b2": b2, "embed": embed}


def reference(x, ln_g, ln_b, W1, b1, W2, b2, embed):
    # pre_norm (LayerNorm over last dim)
    mu = jnp.mean(x, axis=-1, keepdims=True)
    var = jnp.mean((x - mu) ** 2, axis=-1, keepdims=True)
    x_normed = (x - mu) / jnp.sqrt(var + LN_EPS) * ln_g + ln_b
    # pre_proj: GELU (exact erf, torch default) then Linear
    z_e = jax.nn.gelu(x_normed, approximate=False) @ W1 + b1
    flat = z_e.reshape(-1, CB_DIM)
    # squared-distance to codebook
    z_e_sq = jnp.sum(flat ** 2, axis=1, keepdims=True)
    e_sq = jnp.sum(embed ** 2, axis=1)
    dist = z_e_sq - 2.0 * (flat @ embed.T) + e_sq[None, :]
    indices = jnp.argmin(dist, axis=1)
    z_q = jnp.take(embed, indices, axis=0)
    # losses
    codebook_loss = CODEBOOK_COST * jnp.mean((jax.lax.stop_gradient(flat) - z_q) ** 2)
    commitment_loss = COMMIT_COST * jnp.mean((flat - jax.lax.stop_gradient(z_q)) ** 2)
    vq_loss = codebook_loss + commitment_loss
    # straight-through estimator + post projection
    q_flat = flat + jax.lax.stop_gradient(z_q - flat)
    quantized = (q_flat @ W2 + b2).reshape(B, N, DIM)
    return quantized, indices.reshape(B, N), vq_loss

if __name__ == "__main__":
    import jax
    _d = setup_inputs()
    print(jax.jit(kernel)(*tuple(_d.values())))

</pallas_src>

<mosaic_0001>
#map = affine_map<(d0, d1) -> (0, 0)>
#map1 = affine_map<(d0, d1) -> (0)>
module attributes {stable_mosaic.version = 14 : i64} {
  func.func @k(%arg0: i32, %arg1: i32, %arg2: memref<1024x384xf32, #tpu.memory_space<hbm>>, %arg3: memref<16384xi32, #tpu.memory_space<hbm>>, %arg4: memref<16384x384xf32, #tpu.memory_space<hbm>>, %arg5: memref<512xi32, #tpu.memory_space<vmem>>, %arg6: memref<128x384xf32, #tpu.memory_space<vmem>>, %arg7: memref<128x384xf32, #tpu.memory_space<vmem>>, %arg8: memref<!tpu.dma_semaphore, #tpu.memory_space<semaphore_mem>>) attributes {dimension_semantics = [#tpu.dimension_semantics<core_parallel>, #tpu.dimension_semantics<subcore_parallel>], iteration_bounds = array<i64: 2, 16>, scalar_prefetch = 0 : i64, scratch_operands = 4 : i64, tpu.core_type = #tpu.core_type<sc_vector_subcore>, window_params = [{transform_indices = #map}, {transform_indices = #map1}, {transform_indices = #map}]} {
    %mul3A = arith.constant 2 : i32
    %mul3A_0 = arith.muli %arg1, %mul3A : i32
    %add3A = arith.addi %mul3A_0, %arg0 : i32
    %mul3A_1 = arith.constant 512 : i32
    %mul3A_2 = arith.muli %add3A, %mul3A_1 : i32
    "tpu.region"() ({
      %run_scoped3A = tpu.sem_alloc : memref<!tpu.dma_semaphore, #tpu.memory_space<semaphore_mem>>
      %dma_start3A_49 = tpu.memref_slice %arg3[%mul3A_2] : memref<16384xi32, #tpu.memory_space<hbm>> -> memref<512xi32, #tpu.memory_space<hbm>>
      %dma_start3A_50 = tpu.memref_slice %arg3[%mul3A_2] : memref<16384xi32, #tpu.memory_space<hbm>> -> memref<512xi32, #tpu.memory_space<hbm>>
      tpu.enqueue_dma source(%dma_start3A_50 : memref<512xi32, #tpu.memory_space<hbm>>) target(%arg5 : memref<512xi32, #tpu.memory_space<vmem>>) target_semaphore(%run_scoped3A : memref<!tpu.dma_semaphore, #tpu.memory_space<semaphore_mem>>)
      %dma_wait3A_51 = tpu.memref_slice %arg3[%mul3A_2] : memref<16384xi32, #tpu.memory_space<hbm>> -> memref<512xi32, #tpu.memory_space<hbm>>
      %dma_wait3A_52 = tpu.memref_slice %arg3[%mul3A_2] : memref<16384xi32, #tpu.memory_space<hbm>> -> memref<512xi32, #tpu.memory_space<hbm>>
      tpu.wait_dma2 semaphore(%run_scoped3A : memref<!tpu.dma_semaphore, #tpu.memory_space<semaphore_mem>>) src(%dma_wait3A_52 : memref<512xi32, #tpu.memory_space<hbm>>) dst(%arg5 : memref<512xi32, #tpu.memory_space<vmem>>)
      tpu.yield
    }) : () -> ()
    %dma_start3A = arith.constant 0 : i32
    %dma_start3A_3 = tpu.memref_slice %arg5[%dma_start3A] : memref<512xi32, #tpu.memory_space<vmem>> -> memref<128xi32, #tpu.memory_space<vmem>>
    %dma_start3A_4 = arith.constant 0 : i32
    %dma_start3A_5 = arith.constant 0 : i32
    %dma_start3A_6 = tpu.memref_slice %arg2[%dma_start3A_4, %dma_start3A_5] : memref<1024x384xf32, #tpu.memory_space<hbm>> -> memref<1024x384xf32, #tpu.memory_space<hbm>>
    tpu.enqueue_indirect_dma source(%dma_start3A_6 : memref<1024x384xf32, #tpu.memory_space<hbm>>) target(%arg6 : memref<128x384xf32, #tpu.memory_space<vmem>>) offsets(%dma_start3A_3 : memref<128xi32, #tpu.memory_space<vmem>>) semaphore(%arg8 : memref<!tpu.dma_semaphore, #tpu.memory_space<semaphore_mem>>)
    %dma_wait3A = arith.constant 0 : i32
    %dma_wait3A_7 = tpu.memref_slice %arg5[%dma_wait3A] : memref<512xi32, #tpu.memory_space<vmem>> -> memref<128xi32, #tpu.memory_space<vmem>>
    %dma_wait3A_8 = arith.constant 0 : i32
    %dma_wait3A_9 = arith.constant 0 : i32
    %dma_wait3A_10 = tpu.memref_slice %arg2[%dma_wait3A_8, %dma_wait3A_9] : memref<1024x384xf32, #tpu.memory_space<hbm>> -> memref<1024x384xf32, #tpu.memory_space<hbm>>
    tpu.wait_indirect_dma semaphore(%arg8 : memref<!tpu.dma_semaphore, #tpu.memory_space<semaphore_mem>>) src(%dma_wait3A_10 : memref<1024x384xf32, #tpu.memory_space<hbm>>) dst(%arg6 : memref<128x384xf32, #tpu.memory_space<vmem>>)
    %dma_start3A_11 = arith.constant 128 : i32
    %dma_start3A_12 = tpu.memref_slice %arg5[%dma_start3A_11] : memref<512xi32, #tpu.memory_space<vmem>> -> memref<128xi32, #tpu.memory_space<vmem>>
    %dma_start3A_13 = arith.constant 0 : i32
    %dma_start3A_14 = arith.constant 0 : i32
    %dma_start3A_15 = tpu.memref_slice %arg2[%dma_start3A_13, %dma_start3A_14] : memref<1024x384xf32, #tpu.memory_space<hbm>> -> memref<1024x384xf32, #tpu.memory_space<hbm>>
    tpu.enqueue_indirect_dma source(%dma_start3A_15 : memref<1024x384xf32, #tpu.memory_space<hbm>>) target(%arg7 : memref<128x384xf32, #tpu.memory_space<vmem>>) offsets(%dma_start3A_12 : memref<128xi32, #tpu.memory_space<vmem>>) semaphore(%arg8 : memref<!tpu.dma_semaphore, #tpu.memory_space<semaphore_mem>>)
    %add3A_16 = arith.constant 0 : i32
    %add3A_17 = arith.addi %mul3A_2, %add3A_16 : i32
    "tpu.region"() ({
      %run_scoped3A = tpu.sem_alloc : memref<!tpu.dma_semaphore, #tpu.memory_space<semaphore_mem>>
      %dma_start3A_49 = arith.constant 0 : i32
      %dma_start3A_50 = tpu.memref_slice %arg4[%add3A_17, %dma_start3A_49] : memref<16384x384xf32, #tpu.memory_space<hbm>> -> memref<128x384xf32, #tpu.memory_space<hbm>>
      %dma_start3A_51 = arith.constant 0 : i32
      %dma_start3A_52 = tpu.memref_slice %arg4[%add3A_17, %dma_start3A_51] : memref<16384x384xf32, #tpu.memory_space<hbm>> -> memref<128x384xf32, #tpu.memory_space<hbm>>
      tpu.enqueue_dma source(%arg6 : memref<128x384xf32, #tpu.memory_space<vmem>>) target(%dma_start3A_52 : memref<128x384xf32, #tpu.memory_space<hbm>>) target_semaphore(%run_scoped3A : memref<!tpu.dma_semaphore, #tpu.memory_space<semaphore_mem>>)
      %dma_wait3A_53 = arith.constant 0 : i32
      %dma_wait3A_54 = tpu.memref_slice %arg4[%add3A_17, %dma_wait3A_53] : memref<16384x384xf32, #tpu.memory_space<hbm>> -> memref<128x384xf32, #tpu.memory_space<hbm>>
      %dma_wait3A_55 = arith.constant 0 : i32
      %dma_wait3A_56 = tpu.memref_slice %arg4[%add3A_17, %dma_wait3A_55] : memref<16384x384xf32, #tpu.memory_space<hbm>> -> memref<128x384xf32, #tpu.memory_space<hbm>>
      tpu.wait_dma2 semaphore(%run_scoped3A : memref<!tpu.dma_semaphore, #tpu.memory_space<semaphore_mem>>) src(%arg6 : memref<128x384xf32, #tpu.memory_space<vmem>>) dst(%dma_wait3A_56 : memref<128x384xf32, #tpu.memory_space<hbm>>)
      tpu.yield
    }) : () -> ()
    %dma_wait3A_18 = arith.constant 128 : i32
    %dma_wait3A_19 = tpu.memref_slice %arg5[%dma_wait3A_18] : memref<512xi32, #tpu.memory_space<vmem>> -> memref<128xi32, #tpu.memory_space<vmem>>
    %dma_wait3A_20 = arith.constant 0 : i32
    %dma_wait3A_21 = arith.constant 0 : i32
    %dma_wait3A_22 = tpu.memref_slice %arg2[%dma_wait3A_20, %dma_wait3A_21] : memref<1024x384xf32, #tpu.memory_space<hbm>> -> memref<1024x384xf32, #tpu.memory_space<hbm>>
    tpu.wait_indirect_dma semaphore(%arg8 : memref<!tpu.dma_semaphore, #tpu.memory_space<semaphore_mem>>) src(%dma_wait3A_22 : memref<1024x384xf32, #tpu.memory_space<hbm>>) dst(%arg7 : memref<128x384xf32, #tpu.memory_space<vmem>>)
    %dma_start3A_23 = arith.constant 256 : i32
    %dma_start3A_24 = tpu.memref_slice %arg5[%dma_start3A_23] : memref<512xi32, #tpu.memory_space<vmem>> -> memref<128xi32, #tpu.memory_space<vmem>>
    %dma_start3A_25 = arith.constant 0 : i32
    %dma_start3A_26 = arith.constant 0 : i32
    %dma_start3A_27 = tpu.memref_slice %arg2[%dma_start3A_25, %dma_start3A_26] : memref<1024x384xf32, #tpu.memory_space<hbm>> -> memref<1024x384xf32, #tpu.memory_space<hbm>>
    tpu.enqueue_indirect_dma source(%dma_start3A_27 : memref<1024x384xf32, #tpu.memory_space<hbm>>) target(%arg6 : memref<128x384xf32, #tpu.memory_space<vmem>>) offsets(%dma_start3A_24 : memref<128xi32, #tpu.memory_space<vmem>>) semaphore(%arg8 : memref<!tpu.dma_semaphore, #tpu.memory_space<semaphore_mem>>)
    %add3A_28 = arith.constant 128 : i32
    %add3A_29 = arith.addi %mul3A_2, %add3A_28 : i32
    "tpu.region"() ({
      %run_scoped3A = tpu.sem_alloc : memref<!tpu.dma_semaphore, #tpu.memory_space<semaphore_mem>>
      %dma_start3A_49 = arith.constant 0 : i32
      %dma_start3A_50 = tpu.memref_slice %arg4[%add3A_29, %dma_start3A_49] : memref<16384x384xf32, #tpu.memory_space<hbm>> -> memref<128x384xf32, #tpu.memory_space<hbm>>
      %dma_start3A_51 = arith.constant 0 : i32
      %dma_start3A_52 = tpu.memref_slice %arg4[%add3A_29, %dma_start3A_51] : memref<16384x384xf32, #tpu.memory_space<hbm>> -> memref<128x384xf32, #tpu.memory_space<hbm>>
      tpu.enqueue_dma source(%arg7 : memref<128x384xf32, #tpu.memory_space<vmem>>) target(%dma_start3A_52 : memref<128x384xf32, #tpu.memory_space<hbm>>) target_semaphore(%run_scoped3A : memref<!tpu.dma_semaphore, #tpu.memory_space<semaphore_mem>>)
      %dma_wait3A_53 = arith.constant 0 : i32
      %dma_wait3A_54 = tpu.memref_slice %arg4[%add3A_29, %dma_wait3A_53] : memref<16384x384xf32, #tpu.memory_space<hbm>> -> memref<128x384xf32, #tpu.memory_space<hbm>>
      %dma_wait3A_55 = arith.constant 0 : i32
      %dma_wait3A_56 = tpu.memref_slice %arg4[%add3A_29, %dma_wait3A_55] : memref<16384x384xf32, #tpu.memory_space<hbm>> -> memref<128x384xf32, #tpu.memory_space<hbm>>
      tpu.wait_dma2 semaphore(%run_scoped3A : memref<!tpu.dma_semaphore, #tpu.memory_space<semaphore_mem>>) src(%arg7 : memref<128x384xf32, #tpu.memory_space<vmem>>) dst(%dma_wait3A_56 : memref<128x384xf32, #tpu.memory_space<hbm>>)
      tpu.yield
    }) : () -> ()
    %dma_wait3A_30 = arith.constant 256 : i32
    %dma_wait3A_31 = tpu.memref_slice %arg5[%dma_wait3A_30] : memref<512xi32, #tpu.memory_space<vmem>> -> memref<128xi32, #tpu.memory_space<vmem>>
    %dma_wait3A_32 = arith.constant 0 : i32
    %dma_wait3A_33 = arith.constant 0 : i32
    %dma_wait3A_34 = tpu.memref_slice %arg2[%dma_wait3A_32, %dma_wait3A_33] : memref<1024x384xf32, #tpu.memory_space<hbm>> -> memref<1024x384xf32, #tpu.memory_space<hbm>>
    tpu.wait_indirect_dma semaphore(%arg8 : memref<!tpu.dma_semaphore, #tpu.memory_space<semaphore_mem>>) src(%dma_wait3A_34 : memref<1024x384xf32, #tpu.memory_space<hbm>>) dst(%arg6 : memref<128x384xf32, #tpu.memory_space<vmem>>)
    %dma_start3A_35 = arith.constant 384 : i32
    %dma_start3A_36 = tpu.memref_slice %arg5[%dma_start3A_35] : memref<512xi32, #tpu.memory_space<vmem>> -> memref<128xi32, #tpu.memory_space<vmem>>
    %dma_start3A_37 = arith.constant 0 : i32
    %dma_start3A_38 = arith.constant 0 : i32
    %dma_start3A_39 = tpu.memref_slice %arg2[%dma_start3A_37, %dma_start3A_38] : memref<1024x384xf32, #tpu.memory_space<hbm>> -> memref<1024x384xf32, #tpu.memory_space<hbm>>
    tpu.enqueue_indirect_dma source(%dma_start3A_39 : memref<1024x384xf32, #tpu.memory_space<hbm>>) target(%arg7 : memref<128x384xf32, #tpu.memory_space<vmem>>) offsets(%dma_start3A_36 : memref<128xi32, #tpu.memory_space<vmem>>) semaphore(%arg8 : memref<!tpu.dma_semaphore, #tpu.memory_space<semaphore_mem>>)
    %add3A_40 = arith.constant 256 : i32
    %add3A_41 = arith.addi %mul3A_2, %add3A_40 : i32
    "tpu.region"() ({
      %run_scoped3A = tpu.sem_alloc : memref<!tpu.dma_semaphore, #tpu.memory_space<semaphore_mem>>
      %dma_start3A_49 = arith.constant 0 : i32
      %dma_start3A_50 = tpu.memref_slice %arg4[%add3A_41, %dma_start3A_49] : memref<16384x384xf32, #tpu.memory_space<hbm>> -> memref<128x384xf32, #tpu.memory_space<hbm>>
      %dma_start3A_51 = arith.constant 0 : i32
      %dma_start3A_52 = tpu.memref_slice %arg4[%add3A_41, %dma_start3A_51] : memref<16384x384xf32, #tpu.memory_space<hbm>> -> memref<128x384xf32, #tpu.memory_space<hbm>>
      tpu.enqueue_dma source(%arg6 : memref<128x384xf32, #tpu.memory_space<vmem>>) target(%dma_start3A_52 : memref<128x384xf32, #tpu.memory_space<hbm>>) target_semaphore(%run_scoped3A : memref<!tpu.dma_semaphore, #tpu.memory_space<semaphore_mem>>)
      %dma_wait3A_53 = arith.constant 0 : i32
      %dma_wait3A_54 = tpu.memref_slice %arg4[%add3A_41, %dma_wait3A_53] : memref<16384x384xf32, #tpu.memory_space<hbm>> -> memref<128x384xf32, #tpu.memory_space<hbm>>
      %dma_wait3A_55 = arith.constant 0 : i32
      %dma_wait3A_56 = tpu.memref_slice %arg4[%add3A_41, %dma_wait3A_55] : memref<16384x384xf32, #tpu.memory_space<hbm>> -> memref<128x384xf32, #tpu.memory_space<hbm>>
      tpu.wait_dma2 semaphore(%run_scoped3A : memref<!tpu.dma_semaphore, #tpu.memory_space<semaphore_mem>>) src(%arg6 : memref<128x384xf32, #tpu.memory_space<vmem>>) dst(%dma_wait3A_56 : memref<128x384xf32, #tpu.memory_space<hbm>>)
      tpu.yield
    }) : () -> ()
    %dma_wait3A_42 = arith.constant 384 : i32
    %dma_wait3A_43 = tpu.memref_slice %arg5[%dma_wait3A_42] : memref<512xi32, #tpu.memory_space<vmem>> -> memref<128xi32, #tpu.memory_space<vmem>>
    %dma_wait3A_44 = arith.constant 0 : i32
    %dma_wait3A_45 = arith.constant 0 : i32
    %dma_wait3A_46 = tpu.memref_slice %arg2[%dma_wait3A_44, %dma_wait3A_45] : memref<1024x384xf32, #tpu.memory_space<hbm>> -> memref<1024x384xf32, #tpu.memory_space<hbm>>
    tpu.wait_indirect_dma semaphore(%arg8 : memref<!tpu.dma_semaphore, #tpu.memory_space<semaphore_mem>>) src(%dma_wait3A_46 : memref<1024x384xf32, #tpu.memory_space<hbm>>) dst(%arg7 : memref<128x384xf32, #tpu.memory_space<vmem>>)
    %add3A_47 = arith.constant 384 : i32
    %add3A_48 = arith.addi %mul3A_2, %add3A_47 : i32
    "tpu.region"() ({
      %run_scoped3A = tpu.sem_alloc : memref<!tpu.dma_semaphore, #tpu.memory_space<semaphore_mem>>
      %dma_start3A_49 = arith.constant 0 : i32
      %dma_start3A_50 = tpu.memref_slice %arg4[%add3A_48, %dma_start3A_49] : memref<16384x384xf32, #tpu.memory_space<hbm>> -> memref<128x384xf32, #tpu.memory_space<hbm>>
      %dma_start3A_51 = arith.constant 0 : i32
      %dma_start3A_52 = tpu.memref_slice %arg4[%add3A_48, %dma_start3A_51] : memref<16384x384xf32, #tpu.memory_space<hbm>> -> memref<128x384xf32, #tpu.memory_space<hbm>>
      tpu.enqueue_dma source(%arg7 : memref<128x384xf32, #tpu.memory_space<vmem>>) target(%dma_start3A_52 : memref<128x384xf32, #tpu.memory_space<hbm>>) target_semaphore(%run_scoped3A : memref<!tpu.dma_semaphore, #tpu.memory_space<semaphore_mem>>)
      %dma_wait3A_53 = arith.constant 0 : i32
      %dma_wait3A_54 = tpu.memref_slice %arg4[%add3A_48, %dma_wait3A_53] : memref<16384x384xf32, #tpu.memory_space<hbm>> -> memref<128x384xf32, #tpu.memory_space<hbm>>
      %dma_wait3A_55 = arith.constant 0 : i32
      %dma_wait3A_56 = tpu.memref_slice %arg4[%add3A_48, %dma_wait3A_55] : memref<16384x384xf32, #tpu.memory_space<hbm>> -> memref<128x384xf32, #tpu.memory_space<hbm>>
      tpu.wait_dma2 semaphore(%run_scoped3A : memref<!tpu.dma_semaphore, #tpu.memory_space<semaphore_mem>>) src(%arg7 : memref<128x384xf32, #tpu.memory_space<vmem>>) dst(%dma_wait3A_56 : memref<128x384xf32, #tpu.memory_space<hbm>>)
      tpu.yield
    }) : () -> ()
    return
  }
}

module attributes {stable_mosaic.version = 14 : i64} {
  func.func @_vq_tc_body(%arg0: i32, %arg1: memref<4096x384xf32, #tpu.memory_space<vmem>>, %arg2: memref<1x384xf32, #tpu.memory_space<vmem>>, %arg3: memref<1x384xf32, #tpu.memory_space<vmem>>, %arg4: memref<384x32xf32, #tpu.memory_space<vmem>>, %arg5: memref<1x32xf32, #tpu.memory_space<vmem>>, %arg6: memref<32x384xf32, #tpu.memory_space<vmem>>, %arg7: memref<1x384xf32, #tpu.memory_space<vmem>>, %arg8: memref<1024x32xf32, #tpu.memory_space<vmem>>, %arg9: memref<1x1x4096xi32, #tpu.memory_space<vmem>>, %arg10: memref<1024x384xf32, #tpu.memory_space<vmem>>, %arg11: memref<1x1xf32, #tpu.memory_space<vmem>>) attributes {dimension_semantics = [#tpu.dimension_semantics<arbitrary>], iteration_bounds = array<i64: 4>, scalar_prefetch = 0 : i64, scratch_operands = 0 : i64, tpu.core_type = #tpu.core_type<tc>, window_params = [{transform_indices = @transform_0, window_bounds = array<i64: 4096, 384>}, {pipeline_mode = #tpu.pipeline_mode<synchronous>, transform_indices = @transform_1, window_bounds = array<i64: 1, 384>}, {pipeline_mode = #tpu.pipeline_mode<synchronous>, transform_indices = @transform_2, window_bounds = array<i64: 1, 384>}, {pipeline_mode = #tpu.pipeline_mode<synchronous>, transform_indices = @transform_3, window_bounds = array<i64: 384, 32>}, {pipeline_mode = #tpu.pipeline_mode<synchronous>, transform_indices = @transform_4, window_bounds = array<i64: 1, 32>}, {pipeline_mode = #tpu.pipeline_mode<synchronous>, transform_indices = @transform_5, window_bounds = array<i64: 32, 384>}, {pipeline_mode = #tpu.pipeline_mode<synchronous>, transform_indices = @transform_6, window_bounds = array<i64: 1, 384>}, {pipeline_mode = #tpu.pipeline_mode<synchronous>, transform_indices = @transform_7, window_bounds = array<i64: 1024, 32>}, {transform_indices = @transform_8, window_bounds = array<i64: 1, 1, 4096>}, {pipeline_mode = #tpu.pipeline_mode<synchronous>, transform_indices = @transform_9, window_bounds = array<i64: 1024, 384>}, {pipeline_mode = #tpu.pipeline_mode<synchronous>, transform_indices = @transform_10, window_bounds = array<i64: 1, 1>}]} {
    %get3A = arith.constant 0 : index
    %get3A_0 = arith.constant 0 : index
    %get3A_1 = vector.load %arg1[%get3A, %get3A_0] : memref<4096x384xf32, #tpu.memory_space<vmem>>, vector<4096x384xf32>
    %reduce_sum3A = arith.constant dense<0.000000e+00> : vector<4096xf32>
    %reduce_sum3A_2 = vector.multi_reduction <add>, %get3A_1, %reduce_sum3A [1] : vector<4096x384xf32> to vector<4096xf32>
    %broadcast_in_dim3A = vector.shape_cast %reduce_sum3A_2 : vector<4096xf32> to vector<4096x1xf32>
    %div3A = arith.constant 3.840000e+02 : f32
    %div3A_3 = vector.broadcast %div3A : f32 to vector<4096x1xf32>
    %div3A_4 = arith.divf %broadcast_in_dim3A, %div3A_3 : vector<4096x1xf32>
    %sub3A = vector.broadcast %div3A_4 : vector<4096x1xf32> to vector<4096x384xf32>
    %sub3A_5 = arith.subf %get3A_1, %sub3A : vector<4096x384xf32>
    %integer_pow3A = arith.mulf %sub3A_5, %sub3A_5 : vector<4096x384xf32>
    %reduce_sum3A_6 = arith.constant dense<0.000000e+00> : vector<4096xf32>
    %reduce_sum3A_7 = vector.multi_reduction <add>, %integer_pow3A, %reduce_sum3A_6 [1] : vector<4096x384xf32> to vector<4096xf32>
    %broadcast_in_dim3A_8 = vector.shape_cast %reduce_sum3A_7 : vector<4096xf32> to vector<4096x1xf32>
    %div3A_9 = arith.constant 3.840000e+02 : f32
    %div3A_10 = vector.broadcast %div3A_9 : f32 to vector<4096x1xf32>
    %div3A_11 = arith.divf %broadcast_in_dim3A_8, %div3A_10 : vector<4096x1xf32>
    %sub3A_12 = vector.broadcast %div3A_4 : vector<4096x1xf32> to vector<4096x384xf32>
    %sub3A_13 = arith.subf %get3A_1, %sub3A_12 : vector<4096x384xf32>
    %add3A = arith.constant 9.99999974E-6 : f32
    %add3A_14 = vector.broadcast %add3A : f32 to vector<4096x1xf32>
    %add3A_15 = arith.addf %div3A_11, %add3A_14 : vector<4096x1xf32>
    %sqrt3A = math.sqrt %add3A_15 : vector<4096x1xf32>
    %div3A_16 = vector.broadcast %sqrt3A : vector<4096x1xf32> to vector<4096x384xf32>
    %div3A_17 = arith.divf %sub3A_13, %div3A_16 : vector<4096x384xf32>
    %get3A_18 = arith.constant 0 : index
    %get3A_19 = arith.constant 0 : index
    %get3A_20 = vector.load %arg2[%get3A_18, %get3A_19] : memref<1x384xf32, #tpu.memory_space<vmem>>, vector<1x384xf32>
    %mul3A = vector.broadcast %get3A_20 : vector<1x384xf32> to vector<4096x384xf32>
    %mul3A_21 = arith.mulf %div3A_17, %mul3A : vector<4096x384xf32>
    %get3A_22 = arith.constant 0 : index
    %get3A_23 = arith.constant 0 : index
    %get3A_24 = vector.load %arg3[%get3A_22, %get3A_23] : memref<1x384xf32, #tpu.memory_space<vmem>>, vector<1x384xf32>
    %add3A_25 = vector.broadcast %get3A_24 : vector<1x384xf32> to vector<4096x384xf32>
    %add3A_26 = arith.addf %mul3A_21, %add3A_25 : vector<4096x384xf32>
    %mul3A_27 = arith.constant 5.000000e-01 : f32
    %mul3A_28 = vector.broadcast %mul3A_27 : f32 to vector<4096x384xf32>
    %mul3A_29 = arith.mulf %mul3A_28, %add3A_26 : vector<4096x384xf32>
    %mul3A_30 = arith.constant 0.707106769 : f32
    %mul3A_31 = vector.broadcast %mul3A_30 : f32 to vector<4096x384xf32>
    %mul3A_32 = arith.mulf %add3A_26, %mul3A_31 : vector<4096x384xf32>
    %erf3A = math.erf %mul3A_32 : vector<4096x384xf32>
    %add3A_33 = arith.constant 1.000000e+00 : f32
    %add3A_34 = vector.broadcast %add3A_33 : f32 to vector<4096x384xf32>
    %add3A_35 = arith.addf %add3A_34, %erf3A : vector<4096x384xf32>
    %mul3A_36 = arith.mulf %mul3A_29, %add3A_35 : vector<4096x384xf32>
    %get3A_37 = arith.constant 0 : index
    %get3A_38 = arith.constant 0 : index
    %get3A_39 = vector.load %arg4[%get3A_37, %get3A_38] : memref<384x32xf32, #tpu.memory_space<vmem>>, vector<384x32xf32>
    %dot_general3A = arith.constant dense<0.000000e+00> : vector<4096x32xf32>
    %dot_general3A_40 = tpu.matmul %mul3A_36, %get3A_39, %dot_general3A {dimension_numbers = #tpu.dot_dimension_numbers<[1], [0], [0], [1], [0, 0, 1, 1], [], []>, transpose_lhs_hint = false} : vector<4096x384xf32>, vector<384x32xf32>, vector<4096x32xf32> -> vector<4096x32xf32>
    %get3A_41 = arith.constant 0 : index
    %get3A_42 = arith.constant 0 : index
    %get3A_43 = vector.load %arg5[%get3A_41, %get3A_42] : memref<1x32xf32, #tpu.memory_space<vmem>>, vector<1x32xf32>
    %add3A_44 = vector.broadcast %get3A_43 : vector<1x32xf32> to vector<4096x32xf32>
    %add3A_45 = arith.addf %dot_general3A_40, %add3A_44 : vector<4096x32xf32>
    %get3A_46 = arith.constant 0 : index
    %get3A_47 = arith.constant 0 : index
    %get3A_48 = vector.load %arg8[%get3A_46, %get3A_47] : memref<1024x32xf32, #tpu.memory_space<vmem>>, vector<1024x32xf32>
    %mul3A_49 = arith.mulf %get3A_48, %get3A_48 : vector<1024x32xf32>
    %reduce_sum3A_50 = arith.constant dense<0.000000e+00> : vector<1024xf32>
    %reduce_sum3A_51 = vector.multi_reduction <add>, %mul3A_49, %reduce_sum3A_50 [1] : vector<1024x32xf32> to vector<1024xf32>
    %broadcast_in_dim3A_52 = vector.shape_cast %reduce_sum3A_51 : vector<1024xf32> to vector<1024x1xf32>
    %mul3A_53 = arith.constant -5.000000e-01 : f32
    %mul3A_54 = vector.broadcast %mul3A_53 : f32 to vector<1024x1xf32>
    %mul3A_55 = arith.mulf %mul3A_54, %broadcast_in_dim3A_52 : vector<1024x1xf32>
    %concatenate3A = tpu.concatenate %get3A_48, %mul3A_55 in 1 : vector<1024x32xf32>, vector<1024x1xf32> -> vector<1024x33xf32>
    %mul3A_56 = arith.mulf %add3A_45, %add3A_45 : vector<4096x32xf32>
    %reduce_sum3A_57 = arith.constant dense<0.000000e+00> : vector<4096xf32>
    %reduce_sum3A_58 = vector.multi_reduction <add>, %mul3A_56, %reduce_sum3A_57 [1] : vector<4096x32xf32> to vector<4096xf32>
    %broadcast_in_dim3A_59 = vector.shape_cast %reduce_sum3A_58 : vector<4096xf32> to vector<4096x1xf32>
    %broadcast_in_dim3A_60 = arith.constant 1.000000e+00 : f32
    %broadcast_in_dim3A_61 = vector.broadcast %broadcast_in_dim3A_60 : f32 to vector<4096x1xf32>
    %concatenate3A_62 = tpu.concatenate %add3A_45, %broadcast_in_dim3A_61 in 1 : vector<4096x32xf32>, vector<4096x1xf32> -> vector<4096x33xf32>
    %dot_general3A_63 = arith.constant dense<0.000000e+00> : vector<1024x4096xf32>
    %dot_general3A_64 = tpu.matmul %concatenate3A, %concatenate3A_62, %dot_general3A_63 {dimension_numbers = #tpu.dot_dimension_numbers<[1], [1], [0], [0], [0, 0, 1, 0], [], []>, transpose_lhs_hint = false} : vector<1024x33xf32>, vector<4096x33xf32>, vector<1024x4096xf32> -> vector<1024x4096xf32>
    %reshape3A = vector.shape_cast %dot_general3A_64 : vector<1024x4096xf32> to vector<128x8x4096xf32>
    %slice3A = vector.extract_strided_slice %reshape3A {offsets = [0, 0, 0], sizes = [1, 8, 4096], strides = [1, 1, 1]} : vector<128x8x4096xf32> to vector<1x8x4096xf32>
    %squeeze3A = vector.shape_cast %slice3A : vector<1x8x4096xf32> to vector<8x4096xf32>
    %broadcast_in_dim3A_65 = arith.constant 0.000000e+00 : f32
    %broadcast_in_dim3A_66 = vector.broadcast %broadcast_in_dim3A_65 : f32 to vector<8x4096xf32>
    %slice3A_67 = vector.extract_strided_slice %reshape3A {offsets = [1, 0, 0], sizes = [1, 8, 4096], strides = [1, 1, 1]} : vector<128x8x4096xf32> to vector<1x8x4096xf32>
    %squeeze3A_68 = vector.shape_cast %slice3A_67 : vector<1x8x4096xf32> to vector<8x4096xf32>
    %gt3A = arith.cmpf ogt, %squeeze3A_68, %squeeze3A : vector<8x4096xf32>
    %max3A = arith.maximumf %squeeze3A, %squeeze3A_68 : vector<8x4096xf32>
    %jit3A = arith.constant 1.000000e+00 : f32
    %broadcast_in_dim3A_69 = vector.broadcast %jit3A : f32 to vector<8x4096xf32>
    %select_n3A = arith.select %gt3A, %broadcast_in_dim3A_69, %broadcast_in_dim3A_66 : vector<8x4096xi1>, vector<8x4096xf32>
    %slice3A_70 = vector.extract_strided_slice %reshape3A {offsets = [2, 0, 0], sizes = [1, 8, 4096], strides = [1, 1, 1]} : vector<128x8x4096xf32> to vector<1x8x4096xf32>
    %squeeze3A_71 = vector.shape_cast %slice3A_70 : vector<1x8x4096xf32> to vector<8x4096xf32>
    %gt3A_72 = arith.cmpf ogt, %squeeze3A_71, %max3A : vector<8x4096xf32>
    %max3A_73 = arith.maximumf %max3A, %squeeze3A_71 : vector<8x4096xf32>
    %jit3A_74 = arith.constant 2.000000e+00 : f32
    %broadcast_in_dim3A_75 = vector.broadcast %jit3A_74 : f32 to vector<8x4096xf32>
    %select_n3A_76 = arith.select %gt3A_72, %broadcast_in_dim3A_75, %select_n3A : vector<8x4096xi1>, vector<8x4096xf32>
    %slice3A_77 = vector.extract_strided_slice %reshape3A {offsets = [3, 0, 0], sizes = [1, 8, 4096], strides = [1, 1, 1]} : vector<128x8x4096xf32> to vector<1x8x4096xf32>
    %squeeze3A_78 = vector.shape_cast %slice3A_77 : vector<1x8x4096xf32> to vector<8x4096xf32>
    %gt3A_79 = arith.cmpf ogt, %squeeze3A_78, %max3A_73 : vector<8x4096xf32>
    %max3A_80 = arith.maximumf %max3A_73, %squeeze3A_78 : vector<8x4096xf32>
    %jit3A_81 = arith.constant 3.000000e+00 : f32
    %broadcast_in_dim3A_82 = vector.broadcast %jit3A_81 : f32 to vector<8x4096xf32>
    %select_n3A_83 = arith.select %gt3A_79, %broadcast_in_dim3A_82, %select_n3A_76 : vector<8x4096xi1>, vector<8x4096xf32>
    %slice3A_84 = vector.extract_strided_slice %reshape3A {offsets = [4, 0, 0], sizes = [1, 8, 4096], strides = [1, 1, 1]} : vector<128x8x4096xf32> to vector<1x8x4096xf32>
    %squeeze3A_85 = vector.shape_cast %slice3A_84 : vector<1x8x4096xf32> to vector<8x4096xf32>
    %gt3A_86 = arith.cmpf ogt, %squeeze3A_85, %max3A_80 : vector<8x4096xf32>
    %max3A_87 = arith.maximumf %max3A_80, %squeeze3A_85 : vector<8x4096xf32>
    %jit3A_88 = arith.constant 4.000000e+00 : f32
    %broadcast_in_dim3A_89 = vector.broadcast %jit3A_88 : f32 to vector<8x4096xf32>
    %select_n3A_90 = arith.select %gt3A_86, %broadcast_in_dim3A_89, %select_n3A_83 : vector<8x4096xi1>, vector<8x4096xf32>
    %slice3A_91 = vector.extract_strided_slice %reshape3A {offsets = [5, 0, 0], sizes = [1, 8, 4096], strides = [1, 1, 1]} : vector<128x8x4096xf32> to vector<1x8x4096xf32>
    %squeeze3A_92 = vector.shape_cast %slice3A_91 : vector<1x8x4096xf32> to vector<8x4096xf32>
    %gt3A_93 = arith.cmpf ogt, %squeeze3A_92, %max3A_87 : vector<8x4096xf32>
    %max3A_94 = arith.maximumf %max3A_87, %squeeze3A_92 : vector<8x4096xf32>
    %jit3A_95 = arith.constant 5.000000e+00 : f32
    %broadcast_in_dim3A_96 = vector.broadcast %jit3A_95 : f32 to vector<8x4096xf32>
    %select_n3A_97 = arith.select %gt3A_93, %broadcast_in_dim3A_96, %select_n3A_90 : vector<8x4096xi1>, vector<8x4096xf32>
    %slice3A_98 = vector.extract_strided_slice %reshape3A {offsets = [6, 0, 0], sizes = [1, 8, 4096], strides = [1, 1, 1]} : vector<128x8x4096xf32> to vector<1x8x4096xf32>
    %squeeze3A_99 = vector.shape_cast %slice3A_98 : vector<1x8x4096xf32> to vector<8x4096xf32>
    %gt3A_100 = arith.cmpf ogt, %squeeze3A_99, %max3A_94 : vector<8x4096xf32>
    %max3A_101 = arith.maximumf %max3A_94, %squeeze3A_99 : vector<8x4096xf32>
    %jit3A_102 = arith.constant 6.000000e+00 : f32
    %broadcast_in_dim3A_103 = vector.broadcast %jit3A_102 : f32 to vector<8x4096xf32>
    %select_n3A_104 = arith.select %gt3A_100, %broadcast_in_dim3A_103, %select_n3A_97 : vector<8x4096xi1>, vector<8x4096xf32>
    %slice3A_105 = vector.extract_strided_slice %reshape3A {offsets = [7, 0, 0], sizes = [1, 8, 4096], strides = [1, 1, 1]} : vector<128x8x4096xf32> to vector<1x8x4096xf32>
    %squeeze3A_106 = vector.shape_cast %slice3A_105 : vector<1x8x4096xf32> to vector<8x4096xf32>
    %gt3A_107 = arith.cmpf ogt, %squeeze3A_106, %max3A_101 : vector<8x4096xf32>
    %max3A_108 = arith.maximumf %max3A_101, %squeeze3A_106 : vector<8x4096xf32>
    %jit3A_109 = arith.constant 7.000000e+00 : f32
    %broadcast_in_dim3A_110 = vector.broadcast %jit3A_109 : f32 to vector<8x4096xf32>
    %select_n3A_111 = arith.select %gt3A_107, %broadcast_in_dim3A_110, %select_n3A_104 : vector<8x4096xi1>, vector<8x4096xf32>
    %slice3A_112 = vector.extract_strided_slice %reshape3A {offsets = [8, 0, 0], sizes = [1, 8, 4096], strides = [1, 1, 1]} : vector<128x8x4096xf32> to vector<1x8x4096xf32>
    %squeeze3A_113 = vector.shape_cast %slice3A_112 : vector<1x8x4096xf32> to vector<8x4096xf32>
    %gt3A_114 = arith.cmpf ogt, %squeeze3A_113, %max3A_108 : vector<8x4096xf32>
    %max3A_115 = arith.maximumf %max3A_108, %squeeze3A_113 : vector<8x4096xf32>
    %jit3A_116 = arith.constant 8.000000e+00 : f32
    %broadcast_in_dim3A_117 = vector.broadcast %jit3A_116 : f32 to vector<8x4096xf32>
    %select_n3A_118 = arith.select %gt3A_114, %broadcast_in_dim3A_117, %select_n3A_111 : vector<8x4096xi1>, vector<8x4096xf32>
    %slice3A_119 = vector.extract_strided_slice %reshape3A {offsets = [9, 0, 0], sizes = [1, 8, 4096], strides = [1, 1, 1]} : vector<128x8x4096xf32> to vector<1x8x4096xf32>
    %squeeze3A_120 = vector.shape_cast %slice3A_119 : vector<1x8x4096xf32> to vector<8x4096xf32>
    %gt3A_121 = arith.cmpf ogt, %squeeze3A_120, %max3A_115 : vector<8x4096xf32>
    %max3A_122 = arith.maximumf %max3A_115, %squeeze3A_120 : vector<8x4096xf32>
    %jit3A_123 = arith.constant 9.000000e+00 : f32
    %broadcast_in_dim3A_124 = vector.broadcast %jit3A_123 : f32 to vector<8x4096xf32>
    %select_n3A_125 = arith.select %gt3A_121, %broadcast_in_dim3A_124, %select_n3A_118 : vector<8x4096xi1>, vector<8x4096xf32>
    %slice3A_126 = vector.extract_strided_slice %reshape3A {offsets = [10, 0, 0], sizes = [1, 8, 4096], strides = [1, 1, 1]} : vector<128x8x4096xf32> to vector<1x8x4096xf32>
    %squeeze3A_127 = vector.shape_cast %slice3A_126 : vector<1x8x4096xf32> to vector<8x4096xf32>
    %gt3A_128 = arith.cmpf ogt, %squeeze3A_127, %max3A_122 : vector<8x4096xf32>
    %max3A_129 = arith.maximumf %max3A_122, %squeeze3A_127 : vector<8x4096xf32>
    %jit3A_130 = arith.constant 1.000000e+01 : f32
    %broadcast_in_dim3A_131 = vector.broadcast %jit3A_130 : f32 to vector<8x4096xf32>
    %select_n3A_132 = arith.select %gt3A_128, %broadcast_in_dim3A_131, %select_n3A_125 : vector<8x4096xi1>, vector<8x4096xf32>
    %slice3A_133 = vector.extract_strided_slice %reshape3A {offsets = [11, 0, 0], sizes = [1, 8, 4096], strides = [1, 1, 1]} : vector<128x8x4096xf32> to vector<1x8x4096xf32>
    %squeeze3A_134 = vector.shape_cast %slice3A_133 : vector<1x8x4096xf32> to vector<8x4096xf32>
    %gt3A_135 = arith.cmpf ogt, %squeeze3A_134, %max3A_129 : vector<8x4096xf32>
    %max3A_136 = arith.maximumf %max3A_129, %squeeze3A_134 : vector<8x4096xf32>
    %jit3A_137 = arith.constant 1.100000e+01 : f32
    %broadcast_in_dim3A_138 = vector.broadcast %jit3A_137 : f32 to vector<8x4096xf32>
    %select_n3A_139 = arith.select %gt3A_135, %broadcast_in_dim3A_138, %select_n3A_132 : vector<8x4096xi1>, vector<8x4096xf32>
    %slice3A_140 = vector.extract_strided_slice %reshape3A {offsets = [12, 0, 0], sizes = [1, 8, 4096], strides = [1, 1, 1]} : vector<128x8x4096xf32> to vector<1x8x4096xf32>
    %squeeze3A_141 = vector.shape_cast %slice3A_140 : vector<1x8x4096xf32> to vector<8x4096xf32>
    %gt3A_142 = arith.cmpf ogt, %squeeze3A_141, %max3A_136 : vector<8x4096xf32>
    %max3A_143 = arith.maximumf %max3A_136, %squeeze3A_141 : vector<8x4096xf32>
    %jit3A_144 = arith.constant 1.200000e+01 : f32
    %broadcast_in_dim3A_145 = vector.broadcast %jit3A_144 : f32 to vector<8x4096xf32>
    %select_n3A_146 = arith.select %gt3A_142, %broadcast_in_dim3A_145, %select_n3A_139 : vector<8x4096xi1>, vector<8x4096xf32>
    %slice3A_147 = vector.extract_strided_slice %reshape3A {offsets = [13, 0, 0], sizes = [1, 8, 4096], strides = [1, 1, 1]} : vector<128x8x4096xf32> to vector<1x8x4096xf32>
    %squeeze3A_148 = vector.shape_cast %slice3A_147 : vector<1x8x4096xf32> to vector<8x4096xf32>
    %gt3A_149 = arith.cmpf ogt, %squeeze3A_148, %max3A_143 : vector<8x4096xf32>
    %max3A_150 = arith.maximumf %max3A_143, %squeeze3A_148 : vector<8x4096xf32>
    %jit3A_151 = arith.constant 1.300000e+01 : f32
    %broadcast_in_dim3A_152 = vector.broadcast %jit3A_151 : f32 to vector<8x4096xf32>
    %select_n3A_153 = arith.select %gt3A_149, %broadcast_in_dim3A_152, %select_n3A_146 : vector<8x4096xi1>, vector<8x4096xf32>
    %slice3A_154 = vector.extract_strided_slice %reshape3A {offsets = [14, 0, 0], sizes = [1, 8, 4096], strides = [1, 1, 1]} : vector<128x8x4096xf32> to vector<1x8x4096xf32>
    %squeeze3A_155 = vector.shape_cast %slice3A_154 : vector<1x8x4096xf32> to vector<8x4096xf32>
    %gt3A_156 = arith.cmpf ogt, %squeeze3A_155, %max3A_150 : vector<8x4096xf32>
    %max3A_157 = arith.maximumf %max3A_150, %squeeze3A_155 : vector<8x4096xf32>
    %jit3A_158 = arith.constant 1.400000e+01 : f32
    %broadcast_in_dim3A_159 = vector.broadcast %jit3A_158 : f32 to vector<8x4096xf32>
    %select_n3A_160 = arith.select %gt3A_156, %broadcast_in_dim3A_159, %select_n3A_153 : vector<8x4096xi1>, vector<8x4096xf32>
    %slice3A_161 = vector.extract_strided_slice %reshape3A {offsets = [15, 0, 0], sizes = [1, 8, 4096], strides = [1, 1, 1]} : vector<128x8x4096xf32> to vector<1x8x4096xf32>
    %squeeze3A_162 = vector.shape_cast %slice3A_161 : vector<1x8x4096xf32> to vector<8x4096xf32>
    %gt3A_163 = arith.cmpf ogt, %squeeze3A_162, %max3A_157 : vector<8x4096xf32>
    %max3A_164 = arith.maximumf %max3A_157, %squeeze3A_162 : vector<8x4096xf32>
    %jit3A_165 = arith.constant 1.500000e+01 : f32
    %broadcast_in_dim3A_166 = vector.broadcast %jit3A_165 : f32 to vector<8x4096xf32>
    %select_n3A_167 = arith.select %gt3A_163, %broadcast_in_dim3A_166, %select_n3A_160 : vector<8x4096xi1>, vector<8x4096xf32>
    %slice3A_168 = vector.extract_strided_slice %reshape3A {offsets = [16, 0, 0], sizes = [1, 8, 4096], strides = [1, 1, 1]} : vector<128x8x4096xf32> to vector<1x8x4096xf32>
    %squeeze3A_169 = vector.shape_cast %slice3A_168 : vector<1x8x4096xf32> to vector<8x4096xf32>
    %gt3A_170 = arith.cmpf ogt, %squeeze3A_169, %max3A_164 : vector<8x4096xf32>
    %max3A_171 = arith.maximumf %max3A_164, %squeeze3A_169 : vector<8x4096xf32>
    %jit3A_172 = arith.constant 1.600000e+01 : f32
    %broadcast_in_dim3A_173 = vector.broadcast %jit3A_172 : f32 to vector<8x4096xf32>
    %select_n3A_174 = arith.select %gt3A_170, %broadcast_in_dim3A_173, %select_n3A_167 : vector<8x4096xi1>, vector<8x4096xf32>
    %slice3A_175 = vector.extract_strided_slice %reshape3A {offsets = [17, 0, 0], sizes = [1, 8, 4096], strides = [1, 1, 1]} : vector<128x8x4096xf32> to vector<1x8x4096xf32>
    %squeeze3A_176 = vector.shape_cast %slice3A_175 : vector<1x8x4096xf32> to vector<8x4096xf32>
    %gt3A_177 = arith.cmpf ogt, %squeeze3A_176, %max3A_171 : vector<8x4096xf32>
    %max3A_178 = arith.maximumf %max3A_171, %squeeze3A_176 : vector<8x4096xf32>
    %jit3A_179 = arith.constant 1.700000e+01 : f32
    %broadcast_in_dim3A_180 = vector.broadcast %jit3A_179 : f32 to vector<8x4096xf32>
    %select_n3A_181 = arith.select %gt3A_177, %broadcast_in_dim3A_180, %select_n3A_174 : vector<8x4096xi1>, vector<8x4096xf32>
    %slice3A_182 = vector.extract_strided_slice %reshape3A {offsets = [18, 0, 0], sizes = [1, 8, 4096], strides = [1, 1, 1]} : vector<128x8x4096xf32> to vector<1x8x4096xf32>
    %squeeze3A_183 = vector.shape_cast %slice3A_182 : vector<1x8x4096xf32> to vector<8x4096xf32>
    %gt3A_184 = arith.cmpf ogt, %squeeze3A_183, %max3A_178 : vector<8x4096xf32>
    %max3A_185 = arith.maximumf %max3A_178, %squeeze3A_183 : vector<8x4096xf32>
    %jit3A_186 = arith.constant 1.800000e+01 : f32
    %broadcast_in_dim3A_187 = vector.broadcast %jit3A_186 : f32 to vector<8x4096xf32>
    %select_n3A_188 = arith.select %gt3A_184, %broadcast_in_dim3A_187, %select_n3A_181 : vector<8x4096xi1>, vector<8x4096xf32>
    %slice3A_189 = vector.extract_strided_slice %reshape3A {offsets = [19, 0, 0], sizes = [1, 8, 4096], strides = [1, 1, 1]} : vector<128x8x4096xf32> to vector<1x8x4096xf32>
    %squeeze3A_190 = vector.shape_cast %slice3A_189 : vector<1x8x4096xf32> to vector<8x4096xf32>
    %gt3A_191 = arith.cmpf ogt, %squeeze3A_190, %max3A_185 : vector<8x4096xf32>
    %max3A_192 = arith.maximumf %max3A_185, %squeeze3A_190 : vector<8x4096xf32>
    %jit3A_193 = arith.constant 1.900000e+01 : f32
    %broadcast_in_dim3A_194 = vector.broadcast %jit3A_193 : f32 to vector<8x4096xf32>
    %select_n3A_195 = arith.select %gt3A_191, %broadcast_in_dim3A_194, %select_n3A_188 : vector<8x4096xi1>, vector<8x4096xf32>
    %slice3A_196 = vector.extract_strided_slice %reshape3A {offsets = [20, 0, 0], sizes = [1, 8, 4096], strides = [1, 1, 1]} : vector<128x8x4096xf32> to vector<1x8x4096xf32>
    %squeeze3A_197 = vector.shape_cast %slice3A_196 : vector<1x8x4096xf32> to vector<8x4096xf32>
    %gt3A_198 = arith.cmpf ogt, %squeeze3A_197, %max3A_192 : vector<8x4096xf32>
    %max3A_199 = arith.maximumf %max3A_192, %squeeze3A_197 : vector<8x4096xf32>
    %jit3A_200 = arith.constant 2.000000e+01 : f32
    %broadcast_in_dim3A_201 = vector.broadcast %jit3A_200 : f32 to vector<8x4096xf32>
    %select_n3A_202 = arith.select %gt3A_198, %broadcast_in_dim3A_201, %select_n3A_195 : vector<8x4096xi1>, vector<8x4096xf32>
    %slice3A_203 = vector.extract_strided_slice %reshape3A {offsets = [21, 0, 0], sizes = [1, 8, 4096], strides = [1, 1, 1]} : vector<128x8x4096xf32> to vector<1x8x4096xf32>
    %squeeze3A_204 = vector.shape_cast %slice3A_203 : vector<1x8x4096xf32> to vector<8x4096xf32>
    %gt3A_205 = arith.cmpf ogt, %squeeze3A_204, %max3A_199 : vector<8x4096xf32>
    %max3A_206 = arith.maximumf %max3A_199, %squeeze3A_204 : vector<8x4096xf32>
    %jit3A_207 = arith.constant 2.100000e+01 : f32
    %broadcast_in_dim3A_208 = vector.broadcast %jit3A_207 : f32 to vector<8x4096xf32>
    %select_n3A_209 = arith.select %gt3A_205, %broadcast_in_dim3A_208, %select_n3A_202 : vector<8x4096xi1>, vector<8x4096xf32>
    %slice3A_210 = vector.extract_strided_slice %reshape3A {offsets = [22, 0, 0], sizes = [1, 8, 4096], strides = [1, 1, 1]} : vector<128x8x4096xf32> to vector<1x8x4096xf32>
    %squeeze3A_211 = vector.shape_cast %slice3A_210 : vector<1x8x4096xf32> to vector<8x4096xf32>
    %gt3A_212 = arith.cmpf ogt, %squeeze3A_211, %max3A_206 : vector<8x4096xf32>
    %max3A_213 = arith.maximumf %max3A_206, %squeeze3A_211 : vector<8x4096xf32>
    %jit3A_214 = arith.constant 2.200000e+01 : f32
    %broadcast_in_dim3A_215 = vector.broadcast %jit3A_214 : f32 to vector<8x4096xf32>
    %select_n3A_216 = arith.select %gt3A_212, %broadcast_in_dim3A_215, %select_n3A_209 : vector<8x4096xi1>, vector<8x4096xf32>
    %slice3A_217 = vector.extract_strided_slice %reshape3A {offsets = [23, 0, 0], sizes = [1, 8, 4096], strides = [1, 1, 1]} : vector<128x8x4096xf32> to vector<1x8x4096xf32>
    %squeeze3A_218 = vector.shape_cast %slice3A_217 : vector<1x8x4096xf32> to vector<8x4096xf32>
    %gt3A_219 = arith.cmpf ogt, %squeeze3A_218, %max3A_213 : vector<8x4096xf32>
    %max3A_220 = arith.maximumf %max3A_213, %squeeze3A_218 : vector<8x4096xf32>
    %jit3A_221 = arith.constant 2.300000e+01 : f32
    %broadcast_in_dim3A_222 = vector.broadcast %jit3A_221 : f32 to vector<8x4096xf32>
    %select_n3A_223 = arith.select %gt3A_219, %broadcast_in_dim3A_222, %select_n3A_216 : vector<8x4096xi1>, vector<8x4096xf32>
    %slice3A_224 = vector.extract_strided_slice %reshape3A {offsets = [24, 0, 0], sizes = [1, 8, 4096], strides = [1, 1, 1]} : vector<128x8x4096xf32> to vector<1x8x4096xf32>
    %squeeze3A_225 = vector.shape_cast %slice3A_224 : vector<1x8x4096xf32> to vector<8x4096xf32>
    %gt3A_226 = arith.cmpf ogt, %squeeze3A_225, %max3A_220 : vector<8x4096xf32>
    %max3A_227 = arith.maximumf %max3A_220, %squeeze3A_225 : vector<8x4096xf32>
    %jit3A_228 = arith.constant 2.400000e+01 : f32
    %broadcast_in_dim3A_229 = vector.broadcast %jit3A_228 : f32 to vector<8x4096xf32>
    %select_n3A_230 = arith.select %gt3A_226, %broadcast_in_dim3A_229, %select_n3A_223 : vector<8x4096xi1>, vector<8x4096xf32>
    %slice3A_231 = vector.extract_strided_slice %reshape3A {offsets = [25, 0, 0], sizes = [1, 8, 4096], strides = [1, 1, 1]} : vector<128x8x4096xf32> to vector<1x8x4096xf32>
    %squeeze3A_232 = vector.shape_cast %slice3A_231 : vector<1x8x4096xf32> to vector<8x4096xf32>
    %gt3A_233 = arith.cmpf ogt, %squeeze3A_232, %max3A_227 : vector<8x4096xf32>
    %max3A_234 = arith.maximumf %max3A_227, %squeeze3A_232 : vector<8x4096xf32>
    %jit3A_235 = arith.constant 2.500000e+01 : f32
    %broadcast_in_dim3A_236 = vector.broadcast %jit3A_235 : f32 to vector<8x4096xf32>
    %select_n3A_237 = arith.select %gt3A_233, %broadcast_in_dim3A_236, %select_n3A_230 : vector<8x4096xi1>, vector<8x4096xf32>
    %slice3A_238 = vector.extract_strided_slice %reshape3A {offsets = [26, 0, 0], sizes = [1, 8, 4096], strides = [1, 1, 1]} : vector<128x8x4096xf32> to vector<1x8x4096xf32>
    %squeeze3A_239 = vector.shape_cast %slice3A_238 : vector<1x8x4096xf32> to vector<8x4096xf32>
    %gt3A_240 = arith.cmpf ogt, %squeeze3A_239, %max3A_234 : vector<8x4096xf32>
    %max3A_241 = arith.maximumf %max3A_234, %squeeze3A_239 : vector<8x4096xf32>
    %jit3A_242 = arith.constant 2.600000e+01 : f32
    %broadcast_in_dim3A_243 = vector.broadcast %jit3A_242 : f32 to vector<8x4096xf32>
    %select_n3A_244 = arith.select %gt3A_240, %broadcast_in_dim3A_243, %select_n3A_237 : vector<8x4096xi1>, vector<8x4096xf32>
    %slice3A_245 = vector.extract_strided_slice %reshape3A {offsets = [27, 0, 0], sizes = [1, 8, 4096], strides = [1, 1, 1]} : vector<128x8x4096xf32> to vector<1x8x4096xf32>
    %squeeze3A_246 = vector.shape_cast %slice3A_245 : vector<1x8x4096xf32> to vector<8x4096xf32>
    %gt3A_247 = arith.cmpf ogt, %squeeze3A_246, %max3A_241 : vector<8x4096xf32>
    %max3A_248 = arith.maximumf %max3A_241, %squeeze3A_246 : vector<8x4096xf32>
    %jit3A_249 = arith.constant 2.700000e+01 : f32
    %broadcast_in_dim3A_250 = vector.broadcast %jit3A_249 : f32 to vector<8x4096xf32>
    %select_n3A_251 = arith.select %gt3A_247, %broadcast_in_dim3A_250, %select_n3A_244 : vector<8x4096xi1>, vector<8x4096xf32>
    %slice3A_252 = vector.extract_strided_slice %reshape3A {offsets = [28, 0, 0], sizes = [1, 8, 4096], strides = [1, 1, 1]} : vector<128x8x4096xf32> to vector<1x8x4096xf32>
    %squeeze3A_253 = vector.shape_cast %slice3A_252 : vector<1x8x4096xf32> to vector<8x4096xf32>
    %gt3A_254 = arith.cmpf ogt, %squeeze3A_253, %max3A_248 : vector<8x4096xf32>
    %max3A_255 = arith.maximumf %max3A_248, %squeeze3A_253 : vector<8x4096xf32>
    %jit3A_256 = arith.constant 2.800000e+01 : f32
    %broadcast_in_dim3A_257 = vector.broadcast %jit3A_256 : f32 to vector<8x4096xf32>
    %select_n3A_258 = arith.select %gt3A_254, %broadcast_in_dim3A_257, %select_n3A_251 : vector<8x4096xi1>, vector<8x4096xf32>
    %slice3A_259 = vector.extract_strided_slice %reshape3A {offsets = [29, 0, 0], sizes = [1, 8, 4096], strides = [1, 1, 1]} : vector<128x8x4096xf32> to vector<1x8x4096xf32>
    %squeeze3A_260 = vector.shape_cast %slice3A_259 : vector<1x8x4096xf32> to vector<8x4096xf32>
    %gt3A_261 = arith.cmpf ogt, %squeeze3A_260, %max3A_255 : vector<8x4096xf32>
    %max3A_262 = arith.maximumf %max3A_255, %squeeze3A_260 : vector<8x4096xf32>
    %jit3A_263 = arith.constant 2.900000e+01 : f32
    %broadcast_in_dim3A_264 = vector.broadcast %jit3A_263 : f32 to vector<8x4096xf32>
    %select_n3A_265 = arith.select %gt3A_261, %broadcast_in_dim3A_264, %select_n3A_258 : vector<8x4096xi1>, vector<8x4096xf32>
    %slice3A_266 = vector.extract_strided_slice %reshape3A {offsets = [30, 0, 0], sizes = [1, 8, 4096], strides = [1, 1, 1]} : vector<128x8x4096xf32> to vector<1x8x4096xf32>
    %squeeze3A_267 = vector.shape_cast %slice3A_266 : vector<1x8x4096xf32> to vector<8x4096xf32>
    %gt3A_268 = arith.cmpf ogt, %squeeze3A_267, %max3A_262 : vector<8x4096xf32>
    %max3A_269 = arith.maximumf %max3A_262, %squeeze3A_267 : vector<8x4096xf32>
    %jit3A_270 = arith.constant 3.000000e+01 : f32
    %broadcast_in_dim3A_271 = vector.broadcast %jit3A_270 : f32 to vector<8x4096xf32>
    %select_n3A_272 = arith.select %gt3A_268, %broadcast_in_dim3A_271, %select_n3A_265 : vector<8x4096xi1>, vector<8x4096xf32>
    %slice3A_273 = vector.extract_strided_slice %reshape3A {offsets = [31, 0, 0], sizes = [1, 8, 4096], strides = [1, 1, 1]} : vector<128x8x4096xf32> to vector<1x8x4096xf32>
    %squeeze3A_274 = vector.shape_cast %slice3A_273 : vector<1x8x4096xf32> to vector<8x4096xf32>
    %gt3A_275 = arith.cmpf ogt, %squeeze3A_274, %max3A_269 : vector<8x4096xf32>
    %max3A_276 = arith.maximumf %max3A_269, %squeeze3A_274 : vector<8x4096xf32>
    %jit3A_277 = arith.constant 3.100000e+01 : f32
    %broadcast_in_dim3A_278 = vector.broadcast %jit3A_277 : f32 to vector<8x4096xf32>
    %select_n3A_279 = arith.select %gt3A_275, %broadcast_in_dim3A_278, %select_n3A_272 : vector<8x4096xi1>, vector<8x4096xf32>
    %slice3A_280 = vector.extract_strided_slice %reshape3A {offsets = [32, 0, 0], sizes = [1, 8, 4096], strides = [1, 1, 1]} : vector<128x8x4096xf32> to vector<1x8x4096xf32>
    %squeeze3A_281 = vector.shape_cast %slice3A_280 : vector<1x8x4096xf32> to vector<8x4096xf32>
    %gt3A_282 = arith.cmpf ogt, %squeeze3A_281, %max3A_276 : vector<8x4096xf32>
    %max3A_283 = arith.maximumf %max3A_276, %squeeze3A_281 : vector<8x4096xf32>
    %jit3A_284 = arith.constant 3.200000e+01 : f32
    %broadcast_in_dim3A_285 = vector.broadcast %jit3A_284 : f32 to vector<8x4096xf32>
    %select_n3A_286 = arith.select %gt3A_282, %broadcast_in_dim3A_285, %select_n3A_279 : vector<8x4096xi1>, vector<8x4096xf32>
    %slice3A_287 = vector.extract_strided_slice %reshape3A {offsets = [33, 0, 0], sizes = [1, 8, 4096], strides = [1, 1, 1]} : vector<128x8x4096xf32> to vector<1x8x4096xf32>
    %squeeze3A_288 = vector.shape_cast %slice3A_287 : vector<1x8x4096xf32> to vector<8x4096xf32>
    %gt3A_289 = arith.cmpf ogt, %squeeze3A_288, %max3A_283 : vector<8x4096xf32>
    %max3A_290 = arith.maximumf %max3A_283, %squeeze3A_288 : vector<8x4096xf32>
    %jit3A_291 = arith.constant 3.300000e+01 : f32
    %broadcast_in_dim3A_292 = vector.broadcast %jit3A_291 : f32 to vector<8x4096xf32>
    %select_n3A_293 = arith.select %gt3A_289, %broadcast_in_dim3A_292, %select_n3A_286 : vector<8x4096xi1>, vector<8x4096xf32>
    %slice3A_294 = vector.extract_strided_slice %reshape3A {offsets = [34, 0, 0], sizes = [1, 8, 4096], strides = [1, 1, 1]} : vector<128x8x4096xf32> to vector<1x8x4096xf32>
    %squeeze3A_295 = vector.shape_cast %slice3A_294 : vector<1x8x4096xf32> to vector<8x4096xf32>
    %gt3A_296 = arith.cmpf ogt, %squeeze3A_295, %max3A_290 : vector<8x4096xf32>
    %max3A_297 = arith.maximumf %max3A_290, %squeeze3A_295 : vector<8x4096xf32>
    %jit3A_298 = arith.constant 3.400000e+01 : f32
    %broadcast_in_dim3A_299 = vector.broadcast %jit3A_298 : f32 to vector<8x4096xf32>
    %select_n3A_300 = arith.select %gt3A_296, %broadcast_in_dim3A_299, %select_n3A_293 : vector<8x4096xi1>, vector<8x4096xf32>
    %slice3A_301 = vector.extract_strided_slice %reshape3A {offsets = [35, 0, 0], sizes = [1, 8, 4096], strides = [1, 1, 1]} : vector<128x8x4096xf32> to vector<1x8x4096xf32>
    %squeeze3A_302 = vector.shape_cast %slice3A_301 : vector<1x8x4096xf32> to vector<8x4096xf32>
    %gt3A_303 = arith.cmpf ogt, %squeeze3A_302, %max3A_297 : vector<8x4096xf32>
    %max3A_304 = arith.maximumf %max3A_297, %squeeze3A_302 : vector<8x4096xf32>
    %jit3A_305 = arith.constant 3.500000e+01 : f32
    %broadcast_in_dim3A_306 = vector.broadcast %jit3A_305 : f32 to vector<8x4096xf32>
    %select_n3A_307 = arith.select %gt3A_303, %broadcast_in_dim3A_306, %select_n3A_300 : vector<8x4096xi1>, vector<8x4096xf32>
    %slice3A_308 = vector.extract_strided_slice %reshape3A {offsets = [36, 0, 0], sizes = [1, 8, 4096], strides = [1, 1, 1]} : vector<128x8x4096xf32> to vector<1x8x4096xf32>
    %squeeze3A_309 = vector.shape_cast %slice3A_308 : vector<1x8x4096xf32> to vector<8x4096xf32>
    %gt3A_310 = arith.cmpf ogt, %squeeze3A_309, %max3A_304 : vector<8x4096xf32>
    %max3A_311 = arith.maximumf %max3A_304, %squeeze3A_309 : vector<8x4096xf32>
    %jit3A_312 = arith.constant 3.600000e+01 : f32
    %broadcast_in_dim3A_313 = vector.broadcast %jit3A_312 : f32 to vector<8x4096xf32>
    %select_n3A_314 = arith.select %gt3A_310, %broadcast_in_dim3A_313, %select_n3A_307 : vector<8x4096xi1>, vector<8x4096xf32>
    %slice3A_315 = vector.extract_strided_slice %reshape3A {offsets = [37, 0, 0], sizes = [1, 8, 4096], strides = [1, 1, 1]} : vector<128x8x4096xf32> to vector<1x8x4096xf32>
    %squeeze3A_316 = vector.shape_cast %slice3A_315 : vector<1x8x4096xf32> to vector<8x4096xf32>
    %gt3A_317 = arith.cmpf ogt, %squeeze3A_316, %max3A_311 : vector<8x4096xf32>
    %max3A_318 = arith.maximumf %max3A_311, %squeeze3A_316 : vector<8x4096xf32>
    %jit3A_319 = arith.constant 3.700000e+01 : f32
    %broadcast_in_dim3A_320 = vector.broadcast %jit3A_319 : f32 to vector<8x4096xf32>
    %select_n3A_321 = arith.select %gt3A_317, %broadcast_in_dim3A_320, %select_n3A_314 : vector<8x4096xi1>, vector<8x4096xf32>
    %slice3A_322 = vector.extract_strided_slice %reshape3A {offsets = [38, 0, 0], sizes = [1, 8, 4096], strides = [1, 1, 1]} : vector<128x8x4096xf32> to vector<1x8x4096xf32>
    %squeeze3A_323 = vector.shape_cast %slice3A_322 : vector<1x8x4096xf32> to vector<8x4096xf32>
    %gt3A_324 = arith.cmpf ogt, %squeeze3A_323, %max3A_318 : vector<8x4096xf32>
    %max3A_325 = arith.maximumf %max3A_318, %squeeze3A_323 : vector<8x4096xf32>
    %jit3A_326 = arith.constant 3.800000e+01 : f32
    %broadcast_in_dim3A_327 = vector.broadcast %jit3A_326 : f32 to vector<8x4096xf32>
    %select_n3A_328 = arith.select %gt3A_324, %broadcast_in_dim3A_327, %select_n3A_321 : vector<8x4096xi1>, vector<8x4096xf32>
    %slice3A_329 = vector.extract_strided_slice %reshape3A {offsets = [39, 0, 0], sizes = [1, 8, 4096], strides = [1, 1, 1]} : vector<128x8x4096xf32> to vector<1x8x4096xf32>
    %squeeze3A_330 = vector.shape_cast %slice3A_329 : vector<1x8x4096xf32> to vector<8x4096xf32>
    %gt3A_331 = arith.cmpf ogt, %squeeze3A_330, %max3A_325 : vector<8x4096xf32>
    %max3A_332 = arith.maximumf %max3A_325, %squeeze3A_330 : vector<8x4096xf32>
    %jit3A_333 = arith.constant 3.900000e+01 : f32
    %broadcast_in_dim3A_334 = vector.broadcast %jit3A_333 : f32 to vector<8x4096xf32>
    %select_n3A_335 = arith.select %gt3A_331, %broadcast_in_dim3A_334, %select_n3A_328 : vector<8x4096xi1>, vector<8x4096xf32>
    %slice3A_336 = vector.extract_strided_slice %reshape3A {offsets = [40, 0, 0], sizes = [1, 8, 4096], strides = [1, 1, 1]} : vector<128x8x4096xf32> to vector<1x8x4096xf32>
    %squeeze3A_337 = vector.shape_cast %slice3A_336 : vector<1x8x4096xf32> to vector<8x4096xf32>
    %gt3A_338 = arith.cmpf ogt, %squeeze3A_337, %max3A_332 : vector<8x4096xf32>
    %max3A_339 = arith.maximumf %max3A_332, %squeeze3A_337 : vector<8x4096xf32>
    %jit3A_340 = arith.constant 4.000000e+01 : f32
    %broadcast_in_dim3A_341 = vector.broadcast %jit3A_340 : f32 to vector<8x4096xf32>
    %select_n3A_342 = arith.select %gt3A_338, %broadcast_in_dim3A_341, %select_n3A_335 : vector<8x4096xi1>, vector<8x4096xf32>
    %slice3A_343 = vector.extract_strided_slice %reshape3A {offsets = [41, 0, 0], sizes = [1, 8, 4096], strides = [1, 1, 1]} : vector<128x8x4096xf32> to vector<1x8x4096xf32>
    %squeeze3A_344 = vector.shape_cast %slice3A_343 : vector<1x8x4096xf32> to vector<8x4096xf32>
    %gt3A_345 = arith.cmpf ogt, %squeeze3A_344, %max3A_339 : vector<8x4096xf32>
    %max3A_346 = arith.maximumf %max3A_339, %squeeze3A_344 : vector<8x4096xf32>
    %jit3A_347 = arith.constant 4.100000e+01 : f32
    %broadcast_in_dim3A_348 = vector.broadcast %jit3A_347 : f32 to vector<8x4096xf32>
    %select_n3A_349 = arith.select %gt3A_345, %broadcast_in_dim3A_348, %select_n3A_342 : vector<8x4096xi1>, vector<8x4096xf32>
    %slice3A_350 = vector.extract_strided_slice %reshape3A {offsets = [42, 0, 0], sizes = [1, 8, 4096], strides = [1, 1, 1]} : vector<128x8x4096xf32> to vector<1x8x4096xf32>
    %squeeze3A_351 = vector.shape_cast %slice3A_350 : vector<1x8x4096xf32> to vector<8x4096xf32>
    %gt3A_352 = arith.cmpf ogt, %squeeze3A_351, %max3A_346 : vector<8x4096xf32>
    %max3A_353 = arith.maximumf %max3A_346, %squeeze3A_351 : vector<8x4096xf32>
    %jit3A_354 = arith.constant 4.200000e+01 : f32
    %broadcast_in_dim3A_355 = vector.broadcast %jit3A_354 : f32 to vector<8x4096xf32>
    %select_n3A_356 = arith.select %gt3A_352, %broadcast_in_dim3A_355, %select_n3A_349 : vector<8x4096xi1>, vector<8x4096xf32>
    %slice3A_357 = vector.extract_strided_slice %reshape3A {offsets = [43, 0, 0], sizes = [1, 8, 4096], strides = [1, 1, 1]} : vector<128x8x4096xf32> to vector<1x8x4096xf32>
    %squeeze3A_358 = vector.shape_cast %slice3A_357 : vector<1x8x4096xf32> to vector<8x4096xf32>
    %gt3A_359 = arith.cmpf ogt, %squeeze3A_358, %max3A_353 : vector<8x4096xf32>
    %max3A_360 = arith.maximumf %max3A_353, %squeeze3A_358 : vector<8x4096xf32>
    %jit3A_361 = arith.constant 4.300000e+01 : f32
    %broadcast_in_dim3A_362 = vector.broadcast %jit3A_361 : f32 to vector<8x4096xf32>
    %select_n3A_363 = arith.select %gt3A_359, %broadcast_in_dim3A_362, %select_n3A_356 : vector<8x4096xi1>, vector<8x4096xf32>
    %slice3A_364 = vector.extract_strided_slice %reshape3A {offsets = [44, 0, 0], sizes = [1, 8, 4096], strides = [1, 1, 1]} : vector<128x8x4096xf32> to vector<1x8x4096xf32>
    %squeeze3A_365 = vector.shape_cast %slice3A_364 : vector<1x8x4096xf32> to vector<8x4096xf32>
    %gt3A_366 = arith.cmpf ogt, %squeeze3A_365, %max3A_360 : vector<8x4096xf32>
    %max3A_367 = arith.maximumf %max3A_360, %squeeze3A_365 : vector<8x4096xf32>
    %jit3A_368 = arith.constant 4.400000e+01 : f32
    %broadcast_in_dim3A_369 = vector.broadcast %jit3A_368 : f32 to vector<8x4096xf32>
    %select_n3A_370 = arith.select %gt3A_366, %broadcast_in_dim3A_369, %select_n3A_363 : vector<8x4096xi1>, vector<8x4096xf32>
    %slice3A_371 = vector.extract_strided_slice %reshape3A {offsets = [45, 0, 0], sizes = [1, 8, 4096], strides = [1, 1, 1]} : vector<128x8x4096xf32> to vector<1x8x4096xf32>
    %squeeze3A_372 = vector.shape_cast %slice3A_371 : vector<1x8x4096xf32> to vector<8x4096xf32>
    %gt3A_373 = arith.cmpf ogt, %squeeze3A_372, %max3A_367 : vector<8x4096xf32>
    %max3A_374 = arith.maximumf %max3A_367, %squeeze3A_372 : vector<8x4096xf32>
    %jit3A_375 = arith.constant 4.500000e+01 : f32
    %broadcast_in_dim3A_376 = vector.broadcast %jit3A_375 : f32 to vector<8x4096xf32>
    %select_n3A_377 = arith.select %gt3A_373, %broadcast_in_dim3A_376, %select_n3A_370 : vector<8x4096xi1>, vector<8x4096xf32>
    %slice3A_378 = vector.extract_strided_slice %reshape3A {offsets = [46, 0, 0], sizes = [1, 8, 4096], strides = [1, 1, 1]} : vector<128x8x4096xf32> to vector<1x8x4096xf32>
    %squeeze3A_379 = vector.shape_cast %slice3A_378 : vector<1x8x4096xf32> to vector<8x4096xf32>
    %gt3A_380 = arith.cmpf ogt, %squeeze3A_379, %max3A_374 : vector<8x4096xf32>
    %max3A_381 = arith.maximumf %max3A_374, %squeeze3A_379 : vector<8x4096xf32>
    %jit3A_382 = arith.constant 4.600000e+01 : f32
    %broadcast_in_dim3A_383 = vector.broadcast %jit3A_382 : f32 to vector<8x4096xf32>
    %select_n3A_384 = arith.select %gt3A_380, %broadcast_in_dim3A_383, %select_n3A_377 : vector<8x4096xi1>, vector<8x4096xf32>
    %slice3A_385 = vector.extract_strided_slice %reshape3A {offsets = [47, 0, 0], sizes = [1, 8, 4096], strides = [1, 1, 1]} : vector<128x8x4096xf32> to vector<1x8x4096xf32>
    %squeeze3A_386 = vector.shape_cast %slice3A_385 : vector<1x8x4096xf32> to vector<8x4096xf32>
    %gt3A_387 = arith.cmpf ogt, %squeeze3A_386, %max3A_381 : vector<8x4096xf32>
    %max3A_388 = arith.maximumf %max3A_381, %squeeze3A_386 : vector<8x4096xf32>
    %jit3A_389 = arith.constant 4.700000e+01 : f32
    %broadcast_in_dim3A_390 = vector.broadcast %jit3A_389 : f32 to vector<8x4096xf32>
    %select_n3A_391 = arith.select %gt3A_387, %broadcast_in_dim3A_390, %select_n3A_384 : vector<8x4096xi1>, vector<8x4096xf32>
    %slice3A_392 = vector.extract_strided_slice %reshape3A {offsets = [48, 0, 0], sizes = [1, 8, 4096], strides = [1, 1, 1]} : vector<128x8x4096xf32> to vector<1x8x4096xf32>
    %squeeze3A_393 = vector.shape_cast %slice3A_392 : vector<1x8x4096xf32> to vector<8x4096xf32>
    %gt3A_394 = arith.cmpf ogt, %squeeze3A_393, %max3A_388 : vector<8x4096xf32>
    %max3A_395 = arith.maximumf %max3A_388, %squeeze3A_393 : vector<8x4096xf32>
    %jit3A_396 = arith.constant 4.800000e+01 : f32
    %broadcast_in_dim3A_397 = vector.broadcast %jit3A_396 : f32 to vector<8x4096xf32>
    %select_n3A_398 = arith.select %gt3A_394, %broadcast_in_dim3A_397, %select_n3A_391 : vector<8x4096xi1>, vector<8x4096xf32>
    %slice3A_399 = vector.extract_strided_slice %reshape3A {offsets = [49, 0, 0], sizes = [1, 8, 4096], strides = [1, 1, 1]} : vector<128x8x4096xf32> to vector<1x8x4096xf32>
    %squeeze3A_400 = vector.shape_cast %slice3A_399 : vector<1x8x4096xf32> to vector<8x4096xf32>
    %gt3A_401 = arith.cmpf ogt, %squeeze3A_400, %max3A_395 : vector<8x4096xf32>
    %max3A_402 = arith.maximumf %max3A_395, %squeeze3A_400 : vector<8x4096xf32>
    %jit3A_403 = arith.constant 4.900000e+01 : f32
    %broadcast_in_dim3A_404 = vector.broadcast %jit3A_403 : f32 to vector<8x4096xf32>
    %select_n3A_405 = arith.select %gt3A_401, %broadcast_in_dim3A_404, %select_n3A_398 : vector<8x4096xi1>, vector<8x4096xf32>
    %slice3A_406 = vector.extract_strided_slice %reshape3A {offsets = [50, 0, 0], sizes = [1, 8, 4096], strides = [1, 1, 1]} : vector<128x8x4096xf32> to vector<1x8x4096xf32>
    %squeeze3A_407 = vector.shape_cast %slice3A_406 : vector<1x8x4096xf32> to vector<8x4096xf32>
    %gt3A_408 = arith.cmpf ogt, %squeeze3A_407, %max3A_402 : vector<8x4096xf32>
    %max3A_409 = arith.maximumf %max3A_402, %squeeze3A_407 : vector<8x4096xf32>
    %jit3A_410 = arith.constant 5.000000e+01 : f32
    %broadcast_in_dim3A_411 = vector.broadcast %jit3A_410 : f32 to vector<8x4096xf32>
    %select_n3A_412 = arith.select %gt3A_408, %broadcast_in_dim3A_411, %select_n3A_405 : vector<8x4096xi1>, vector<8x4096xf32>
    %slice3A_413 = vector.extract_strided_slice %reshape3A {offsets = [51, 0, 0], sizes = [1, 8, 4096], strides = [1, 1, 1]} : vector<128x8x4096xf32> to vector<1x8x4096xf32>
    %squeeze3A_414 = vector.shape_cast %slice3A_413 : vector<1x8x4096xf32> to vector<8x4096xf32>
    %gt3A_415 = arith.cmpf ogt, %squeeze3A_414, %max3A_409 : vector<8x4096xf32>
    %max3A_416 = arith.maximumf %max3A_409, %squeeze3A_414 : vector<8x4096xf32>
    %jit3A_417 = arith.constant 5.100000e+01 : f32
    %broadcast_in_dim3A_418 = vector.broadcast %jit3A_417 : f32 to vector<8x4096xf32>
    %select_n3A_419 = arith.select %gt3A_415, %broadcast_in_dim3A_418, %select_n3A_412 : vector<8x4096xi1>, vector<8x4096xf32>
    %slice3A_420 = vector.extract_strided_slice %reshape3A {offsets = [52, 0, 0], sizes = [1, 8, 4096], strides = [1, 1, 1]} : vector<128x8x4096xf32> to vector<1x8x4096xf32>
    %squeeze3A_421 = vector.shape_cast %slice3A_420 : vector<1x8x4096xf32> to vector<8x4096xf32>
    %gt3A_422 = arith.cmpf ogt, %squeeze3A_421, %max3A_416 : vector<8x4096xf32>
    %max3A_423 = arith.maximumf %max3A_416, %squeeze3A_421 : vector<8x4096xf32>
    %jit3A_424 = arith.constant 5.200000e+01 : f32
    %broadcast_in_dim3A_425 = vector.broadcast %jit3A_424 : f32 to vector<8x4096xf32>
    %select_n3A_426 = arith.select %gt3A_422, %broadcast_in_dim3A_425, %select_n3A_419 : vector<8x4096xi1>, vector<8x4096xf32>
    %slice3A_427 = vector.extract_strided_slice %reshape3A {offsets = [53, 0, 0], sizes = [1, 8, 4096], strides = [1, 1, 1]} : vector<128x8x4096xf32> to vector<1x8x4096xf32>
    %squeeze3A_428 = vector.shape_cast %slice3A_427 : vector<1x8x4096xf32> to vector<8x4096xf32>
    %gt3A_429 = arith.cmpf ogt, %squeeze3A_428, %max3A_423 : vector<8x4096xf32>
    %max3A_430 = arith.maximumf %max3A_423, %squeeze3A_428 : vector<8x4096xf32>
    %jit3A_431 = arith.constant 5.300000e+01 : f32
    %broadcast_in_dim3A_432 = vector.broadcast %jit3A_431 : f32 to vector<8x4096xf32>
    %select_n3A_433 = arith.select %gt3A_429, %broadcast_in_dim3A_432, %select_n3A_426 : vector<8x4096xi1>, vector<8x4096xf32>
    %slice3A_434 = vector.extract_strided_slice %reshape3A {offsets = [54, 0, 0], sizes = [1, 8, 4096], strides = [1, 1, 1]} : vector<128x8x4096xf32> to vector<1x8x4096xf32>
    %squeeze3A_435 = vector.shape_cast %slice3A_434 : vector<1x8x4096xf32> to vector<8x4096xf32>
    %gt3A_436 = arith.cmpf ogt, %squeeze3A_435, %max3A_430 : vector<8x4096xf32>
    %max3A_437 = arith.maximumf %max3A_430, %squeeze3A_435 : vector<8x4096xf32>
    %jit3A_438 = arith.constant 5.400000e+01 : f32
    %broadcast_in_dim3A_439 = vector.broadcast %jit3A_438 : f32 to vector<8x4096xf32>
    %select_n3A_440 = arith.select %gt3A_436, %broadcast_in_dim3A_439, %select_n3A_433 : vector<8x4096xi1>, vector<8x4096xf32>
    %slice3A_441 = vector.extract_strided_slice %reshape3A {offsets = [55, 0, 0], sizes = [1, 8, 4096], strides = [1, 1, 1]} : vector<128x8x4096xf32> to vector<1x8x4096xf32>
    %squeeze3A_442 = vector.shape_cast %slice3A_441 : vector<1x8x4096xf32> to vector<8x4096xf32>
    %gt3A_443 = arith.cmpf ogt, %squeeze3A_442, %max3A_437 : vector<8x4096xf32>
    %max3A_444 = arith.maximumf %max3A_437, %squeeze3A_442 : vector<8x4096xf32>
    %jit3A_445 = arith.constant 5.500000e+01 : f32
    %broadcast_in_dim3A_446 = vector.broadcast %jit3A_445 : f32 to vector<8x4096xf32>
    %select_n3A_447 = arith.select %gt3A_443, %broadcast_in_dim3A_446, %select_n3A_440 : vector<8x4096xi1>, vector<8x4096xf32>
    %slice3A_448 = vector.extract_strided_slice %reshape3A {offsets = [56, 0, 0], sizes = [1, 8, 4096], strides = [1, 1, 1]} : vector<128x8x4096xf32> to vector<1x8x4096xf32>
    %squeeze3A_449 = vector.shape_cast %slice3A_448 : vector<1x8x4096xf32> to vector<8x4096xf32>
    %gt3A_450 = arith.cmpf ogt, %squeeze3A_449, %max3A_444 : vector<8x4096xf32>
    %max3A_451 = arith.maximumf %max3A_444, %squeeze3A_449 : vector<8x4096xf32>
    %jit3A_452 = arith.constant 5.600000e+01 : f32
    %broadcast_in_dim3A_453 = vector.broadcast %jit3A_452 : f32 to vector<8x4096xf32>
    %select_n3A_454 = arith.select %gt3A_450, %broadcast_in_dim3A_453, %select_n3A_447 : vector<8x4096xi1>, vector<8x4096xf32>
    %slice3A_455 = vector.extract_strided_slice %reshape3A {offsets = [57, 0, 0], sizes = [1, 8, 4096], strides = [1, 1, 1]} : vector<128x8x4096xf32> to vector<1x8x4096xf32>
    %squeeze3A_456 = vector.shape_cast %slice3A_455 : vector<1x8x4096xf32> to vector<8x4096xf32>
    %gt3A_457 = arith.cmpf ogt, %squeeze3A_456, %max3A_451 : vector<8x4096xf32>
    %max3A_458 = arith.maximumf %max3A_451, %squeeze3A_456 : vector<8x4096xf32>
    %jit3A_459 = arith.constant 5.700000e+01 : f32
    %broadcast_in_dim3A_460 = vector.broadcast %jit3A_459 : f32 to vector<8x4096xf32>
    %select_n3A_461 = arith.select %gt3A_457, %broadcast_in_dim3A_460, %select_n3A_454 : vector<8x4096xi1>, vector<8x4096xf32>
    %slice3A_462 = vector.extract_strided_slice %reshape3A {offsets = [58, 0, 0], sizes = [1, 8, 4096], strides = [1, 1, 1]} : vector<128x8x4096xf32> to vector<1x8x4096xf32>
    %squeeze3A_463 = vector.shape_cast %slice3A_462 : vector<1x8x4096xf32> to vector<8x4096xf32>
    %gt3A_464 = arith.cmpf ogt, %squeeze3A_463, %max3A_458 : vector<8x4096xf32>
    %max3A_465 = arith.maximumf %max3A_458, %squeeze3A_463 : vector<8x4096xf32>
    %jit3A_466 = arith.constant 5.800000e+01 : f32
    %broadcast_in_dim3A_467 = vector.broadcast %jit3A_466 : f32 to vector<8x4096xf32>
    %select_n3A_468 = arith.select %gt3A_464, %broadcast_in_dim3A_467, %select_n3A_461 : vector<8x4096xi1>, vector<8x4096xf32>
    %slice3A_469 = vector.extract_strided_slice %reshape3A {offsets = [59, 0, 0], sizes = [1, 8, 4096], strides = [1, 1, 1]} : vector<128x8x4096xf32> to vector<1x8x4096xf32>
    %squeeze3A_470 = vector.shape_cast %slice3A_469 : vector<1x8x4096xf32> to vector<8x4096xf32>
    %gt3A_471 = arith.cmpf ogt, %squeeze3A_470, %max3A_465 : vector<8x4096xf32>
    %max3A_472 = arith.maximumf %max3A_465, %squeeze3A_470 : vector<8x4096xf32>
    %jit3A_473 = arith.constant 5.900000e+01 : f32
    %broadcast_in_dim3A_474 = vector.broadcast %jit3A_473 : f32 to vector<8x4096xf32>
    %select_n3A_475 = arith.select %gt3A_471, %broadcast_in_dim3A_474, %select_n3A_468 : vector<8x4096xi1>, vector<8x4096xf32>
    %slice3A_476 = vector.extract_strided_slice %reshape3A {offsets = [60, 0, 0], sizes = [1, 8, 4096], strides = [1, 1, 1]} : vector<128x8x4096xf32> to vector<1x8x4096xf32>
    %squeeze3A_477 = vector.shape_cast %slice3A_476 : vector<1x8x4096xf32> to vector<8x4096xf32>
    %gt3A_478 = arith.cmpf ogt, %squeeze3A_477, %max3A_472 : vector<8x4096xf32>
    %max3A_479 = arith.maximumf %max3A_472, %squeeze3A_477 : vector<8x4096xf32>
    %jit3A_480 = arith.constant 6.000000e+01 : f32
    %broadcast_in_dim3A_481 = vector.broadcast %jit3A_480 : f32 to vector<8x4096xf32>
    %select_n3A_482 = arith.select %gt3A_478, %broadcast_in_dim3A_481, %select_n3A_475 : vector<8x4096xi1>, vector<8x4096xf32>
    %slice3A_483 = vector.extract_strided_slice %reshape3A {offsets = [61, 0, 0], sizes = [1, 8, 4096], strides = [1, 1, 1]} : vector<128x8x4096xf32> to vector<1x8x4096xf32>
    %squeeze3A_484 = vector.shape_cast %slice3A_483 : vector<1x8x4096xf32> to vector<8x4096xf32>
    %gt3A_485 = arith.cmpf ogt, %squeeze3A_484, %max3A_479 : vector<8x4096xf32>
    %max3A_486 = arith.maximumf %max3A_479, %squeeze3A_484 : vector<8x4096xf32>
    %jit3A_487 = arith.constant 6.100000e+01 : f32
    %broadcast_in_dim3A_488 = vector.broadcast %jit3A_487 : f32 to vector<8x4096xf32>
    %select_n3A_489 = arith.select %gt3A_485, %broadcast_in_dim3A_488, %select_n3A_482 : vector<8x4096xi1>, vector<8x4096xf32>
    %slice3A_490 = vector.extract_strided_slice %reshape3A {offsets = [62, 0, 0], sizes = [1, 8, 4096], strides = [1, 1, 1]} : vector<128x8x4096xf32> to vector<1x8x4096xf32>
    %squeeze3A_491 = vector.shape_cast %slice3A_490 : vector<1x8x4096xf32> to vector<8x4096xf32>
    %gt3A_492 = arith.cmpf ogt, %squeeze3A_491, %max3A_486 : vector<8x4096xf32>
    %max3A_493 = arith.maximumf %max3A_486, %squeeze3A_491 : vector<8x4096xf32>
    %jit3A_494 = arith.constant 6.200000e+01 : f32
    %broadcast_in_dim3A_495 = vector.broadcast %jit3A_494 : f32 to vector<8x4096xf32>
    %select_n3A_496 = arith.select %gt3A_492, %broadcast_in_dim3A_495, %select_n3A_489 : vector<8x4096xi1>, vector<8x4096xf32>
    %slice3A_497 = vector.extract_strided_slice %reshape3A {offsets = [63, 0, 0], sizes = [1, 8, 4096], strides = [1, 1, 1]} : vector<128x8x4096xf32> to vector<1x8x4096xf32>
    %squeeze3A_498 = vector.shape_cast %slice3A_497 : vector<1x8x4096xf32> to vector<8x4096xf32>
    %gt3A_499 = arith.cmpf ogt, %squeeze3A_498, %max3A_493 : vector<8x4096xf32>
    %max3A_500 = arith.maximumf %max3A_493, %squeeze3A_498 : vector<8x4096xf32>
    %jit3A_501 = arith.constant 6.300000e+01 : f32
    %broadcast_in_dim3A_502 = vector.broadcast %jit3A_501 : f32 to vector<8x4096xf32>
    %select_n3A_503 = arith.select %gt3A_499, %broadcast_in_dim3A_502, %select_n3A_496 : vector<8x4096xi1>, vector<8x4096xf32>
    %slice3A_504 = vector.extract_strided_slice %reshape3A {offsets = [64, 0, 0], sizes = [1, 8, 4096], strides = [1, 1, 1]} : vector<128x8x4096xf32> to vector<1x8x4096xf32>
    %squeeze3A_505 = vector.shape_cast %slice3A_504 : vector<1x8x4096xf32> to vector<8x4096xf32>
    %gt3A_506 = arith.cmpf ogt, %squeeze3A_505, %max3A_500 : vector<8x4096xf32>
    %max3A_507 = arith.maximumf %max3A_500, %squeeze3A_505 : vector<8x4096xf32>
    %jit3A_508 = arith.constant 6.400000e+01 : f32
    %broadcast_in_dim3A_509 = vector.broadcast %jit3A_508 : f32 to vector<8x4096xf32>
    %select_n3A_510 = arith.select %gt3A_506, %broadcast_in_dim3A_509, %select_n3A_503 : vector<8x4096xi1>, vector<8x4096xf32>
    %slice3A_511 = vector.extract_strided_slice %reshape3A {offsets = [65, 0, 0], sizes = [1, 8, 4096], strides = [1, 1, 1]} : vector<128x8x4096xf32> to vector<1x8x4096xf32>
    %squeeze3A_512 = vector.shape_cast %slice3A_511 : vector<1x8x4096xf32> to vector<8x4096xf32>
    %gt3A_513 = arith.cmpf ogt, %squeeze3A_512, %max3A_507 : vector<8x4096xf32>
    %max3A_514 = arith.maximumf %max3A_507, %squeeze3A_512 : vector<8x4096xf32>
    %jit3A_515 = arith.constant 6.500000e+01 : f32
    %broadcast_in_dim3A_516 = vector.broadcast %jit3A_515 : f32 to vector<8x4096xf32>
    %select_n3A_517 = arith.select %gt3A_513, %broadcast_in_dim3A_516, %select_n3A_510 : vector<8x4096xi1>, vector<8x4096xf32>
    %slice3A_518 = vector.extract_strided_slice %reshape3A {offsets = [66, 0, 0], sizes = [1, 8, 4096], strides = [1, 1, 1]} : vector<128x8x4096xf32> to vector<1x8x4096xf32>
    %squeeze3A_519 = vector.shape_cast %slice3A_518 : vector<1x8x4096xf32> to vector<8x4096xf32>
    %gt3A_520 = arith.cmpf ogt, %squeeze3A_519, %max3A_514 : vector<8x4096xf32>
    %max3A_521 = arith.maximumf %max3A_514, %squeeze3A_519 : vector<8x4096xf32>
    %jit3A_522 = arith.constant 6.600000e+01 : f32
    %broadcast_in_dim3A_523 = vector.broadcast %jit3A_522 : f32 to vector<8x4096xf32>
    %select_n3A_524 = arith.select %gt3A_520, %broadcast_in_dim3A_523, %select_n3A_517 : vector<8x4096xi1>, vector<8x4096xf32>
    %slice3A_525 = vector.extract_strided_slice %reshape3A {offsets = [67, 0, 0], sizes = [1, 8, 4096], strides = [1, 1, 1]} : vector<128x8x4096xf32> to vector<1x8x4096xf32>
    %squeeze3A_526 = vector.shape_cast %slice3A_525 : vector<1x8x4096xf32> to vector<8x4096xf32>
    %gt3A_527 = arith.cmpf ogt, %squeeze3A_526, %max3A_521 : vector<8x4096xf32>
    %max3A_528 = arith.maximumf %max3A_521, %squeeze3A_526 : vector<8x4096xf32>
    %jit3A_529 = arith.constant 6.700000e+01 : f32
    %broadcast_in_dim3A_530 = vector.broadcast %jit3A_529 : f32 to vector<8x4096xf32>
    %select_n3A_531 = arith.select %gt3A_527, %broadcast_in_dim3A_530, %select_n3A_524 : vector<8x4096xi1>, vector<8x4096xf32>
    %slice3A_532 = vector.extract_strided_slice %reshape3A {offsets = [68, 0, 0], sizes = [1, 8, 4096], strides = [1, 1, 1]} : vector<128x8x4096xf32> to vector<1x8x4096xf32>
    %squeeze3A_533 = vector.shape_cast %slice3A_532 : vector<1x8x4096xf32> to vector<8x4096xf32>
    %gt3A_534 = arith.cmpf ogt, %squeeze3A_533, %max3A_528 : vector<8x4096xf32>
    %max3A_535 = arith.maximumf %max3A_528, %squeeze3A_533 : vector<8x4096xf32>
    %jit3A_536 = arith.constant 6.800000e+01 : f32
    %broadcast_in_dim3A_537 = vector.broadcast %jit3A_536 : f32 to vector<8x4096xf32>
    %select_n3A_538 = arith.select %gt3A_534, %broadcast_in_dim3A_537, %select_n3A_531 : vector<8x4096xi1>, vector<8x4096xf32>
    %slice3A_539 = vector.extract_strided_slice %reshape3A {offsets = [69, 0, 0], sizes = [1, 8, 4096], strides = [1, 1, 1]} : vector<128x8x4096xf32> to vector<1x8x4096xf32>
    %squeeze3A_540 = vector.shape_cast %slice3A_539 : vector<1x8x4096xf32> to vector<8x4096xf32>
    %gt3A_541 = arith.cmpf ogt, %squeeze3A_540, %max3A_535 : vector<8x4096xf32>
    %max3A_542 = arith.maximumf %max3A_535, %squeeze3A_540 : vector<8x4096xf32>
    %jit3A_543 = arith.constant 6.900000e+01 : f32
    %broadcast_in_dim3A_544 = vector.broadcast %jit3A_543 : f32 to vector<8x4096xf32>
    %select_n3A_545 = arith.select %gt3A_541, %broadcast_in_dim3A_544, %select_n3A_538 : vector<8x4096xi1>, vector<8x4096xf32>
    %slice3A_546 = vector.extract_strided_slice %reshape3A {offsets = [70, 0, 0], sizes = [1, 8, 4096], strides = [1, 1, 1]} : vector<128x8x4096xf32> to vector<1x8x4096xf32>
    %squeeze3A_547 = vector.shape_cast %slice3A_546 : vector<1x8x4096xf32> to vector<8x4096xf32>
    %gt3A_548 = arith.cmpf ogt, %squeeze3A_547, %max3A_542 : vector<8x4096xf32>
    %max3A_549 = arith.maximumf %max3A_542, %squeeze3A_547 : vector<8x4096xf32>
    %jit3A_550 = arith.constant 7.000000e+01 : f32
    %broadcast_in_dim3A_551 = vector.broadcast %jit3A_550 : f32 to vector<8x4096xf32>
    %select_n3A_552 = arith.select %gt3A_548, %broadcast_in_dim3A_551, %select_n3A_545 : vector<8x4096xi1>, vector<8x4096xf32>
    %slice3A_553 = vector.extract_strided_slice %reshape3A {offsets = [71, 0, 0], sizes = [1, 8, 4096], strides = [1, 1, 1]} : vector<128x8x4096xf32> to vector<1x8x4096xf32>
    %squeeze3A_554 = vector.shape_cast %slice3A_553 : vector<1x8x4096xf32> to vector<8x4096xf32>
    %gt3A_555 = arith.cmpf ogt, %squeeze3A_554, %max3A_549 : vector<8x4096xf32>
    %max3A_556 = arith.maximumf %max3A_549, %squeeze3A_554 : vector<8x4096xf32>
    %jit3A_557 = arith.constant 7.100000e+01 : f32
    %broadcast_in_dim3A_558 = vector.broadcast %jit3A_557 : f32 to vector<8x4096xf32>
    %select_n3A_559 = arith.select %gt3A_555, %broadcast_in_dim3A_558, %select_n3A_552 : vector<8x4096xi1>, vector<8x4096xf32>
    %slice3A_560 = vector.extract_strided_slice %reshape3A {offsets = [72, 0, 0], sizes = [1, 8, 4096], strides = [1, 1, 1]} : vector<128x8x4096xf32> to vector<1x8x4096xf32>
    %squeeze3A_561 = vector.shape_cast %slice3A_560 : vector<1x8x4096xf32> to vector<8x4096xf32>
    %gt3A_562 = arith.cmpf ogt, %squeeze3A_561, %max3A_556 : vector<8x4096xf32>
    %max3A_563 = arith.maximumf %max3A_556, %squeeze3A_561 : vector<8x4096xf32>
    %jit3A_564 = arith.constant 7.200000e+01 : f32
    %broadcast_in_dim3A_565 = vector.broadcast %jit3A_564 : f32 to vector<8x4096xf32>
    %select_n3A_566 = arith.select %gt3A_562, %broadcast_in_dim3A_565, %select_n3A_559 : vector<8x4096xi1>, vector<8x4096xf32>
    %slice3A_567 = vector.extract_strided_slice %reshape3A {offsets = [73, 0, 0], sizes = [1, 8, 4096], strides = [1, 1, 1]} : vector<128x8x4096xf32> to vector<1x8x4096xf32>
    %squeeze3A_568 = vector.shape_cast %slice3A_567 : vector<1x8x4096xf32> to vector<8x4096xf32>
    %gt3A_569 = arith.cmpf ogt, %squeeze3A_568, %max3A_563 : vector<8x4096xf32>
    %max3A_570 = arith.maximumf %max3A_563, %squeeze3A_568 : vector<8x4096xf32>
    %jit3A_571 = arith.constant 7.300000e+01 : f32
    %broadcast_in_dim3A_572 = vector.broadcast %jit3A_571 : f32 to vector<8x4096xf32>
    %select_n3A_573 = arith.select %gt3A_569, %broadcast_in_dim3A_572, %select_n3A_566 : vector<8x4096xi1>, vector<8x4096xf32>
    %slice3A_574 = vector.extract_strided_slice %reshape3A {offsets = [74, 0, 0], sizes = [1, 8, 4096], strides = [1, 1, 1]} : vector<128x8x4096xf32> to vector<1x8x4096xf32>
    %squeeze3A_575 = vector.shape_cast %slice3A_574 : vector<1x8x4096xf32> to vector<8x4096xf32>
    %gt3A_576 = arith.cmpf ogt, %squeeze3A_575, %max3A_570 : vector<8x4096xf32>
    %max3A_577 = arith.maximumf %max3A_570, %squeeze3A_575 : vector<8x4096xf32>
    %jit3A_578 = arith.constant 7.400000e+01 : f32
    %broadcast_in_dim3A_579 = vector.broadcast %jit3A_578 : f32 to vector<8x4096xf32>
    %select_n3A_580 = arith.select %gt3A_576, %broadcast_in_dim3A_579, %select_n3A_573 : vector<8x4096xi1>, vector<8x4096xf32>
    %slice3A_581 = vector.extract_strided_slice %reshape3A {offsets = [75, 0, 0], sizes = [1, 8, 4096], strides = [1, 1, 1]} : vector<128x8x4096xf32> to vector<1x8x4096xf32>
    %squeeze3A_582 = vector.shape_cast %slice3A_581 : vector<1x8x4096xf32> to vector<8x4096xf32>
    %gt3A_583 = arith.cmpf ogt, %squeeze3A_582, %max3A_577 : vector<8x4096xf32>
    %max3A_584 = arith.maximumf %max3A_577, %squeeze3A_582 : vector<8x4096xf32>
    %jit3A_585 = arith.constant 7.500000e+01 : f32
    %broadcast_in_dim3A_586 = vector.broadcast %jit3A_585 : f32 to vector<8x4096xf32>
    %select_n3A_587 = arith.select %gt3A_583, %broadcast_in_dim3A_586, %select_n3A_580 : vector<8x4096xi1>, vector<8x4096xf32>
    %slice3A_588 = vector.extract_strided_slice %reshape3A {offsets = [76, 0, 0], sizes = [1, 8, 4096], strides = [1, 1, 1]} : vector<128x8x4096xf32> to vector<1x8x4096xf32>
    %squeeze3A_589 = vector.shape_cast %slice3A_588 : vector<1x8x4096xf32> to vector<8x4096xf32>
    %gt3A_590 = arith.cmpf ogt, %squeeze3A_589, %max3A_584 : vector<8x4096xf32>
    %max3A_591 = arith.maximumf %max3A_584, %squeeze3A_589 : vector<8x4096xf32>
    %jit3A_592 = arith.constant 7.600000e+01 : f32
    %broadcast_in_dim3A_593 = vector.broadcast %jit3A_592 : f32 to vector<8x4096xf32>
    %select_n3A_594 = arith.select %gt3A_590, %broadcast_in_dim3A_593, %select_n3A_587 : vector<8x4096xi1>, vector<8x4096xf32>
    %slice3A_595 = vector.extract_strided_slice %reshape3A {offsets = [77, 0, 0], sizes = [1, 8, 4096], strides = [1, 1, 1]} : vector<128x8x4096xf32> to vector<1x8x4096xf32>
    %squeeze3A_596 = vector.shape_cast %slice3A_595 : vector<1x8x4096xf32> to vector<8x4096xf32>
    %gt3A_597 = arith.cmpf ogt, %squeeze3A_596, %max3A_591 : vector<8x4096xf32>
    %max3A_598 = arith.maximumf %max3A_591, %squeeze3A_596 : vector<8x4096xf32>
    %jit3A_599 = arith.constant 7.700000e+01 : f32
    %broadcast_in_dim3A_600 = vector.broadcast %jit3A_599 : f32 to vector<8x4096xf32>
    %select_n3A_601 = arith.select %gt3A_597, %broadcast_in_dim3A_600, %select_n3A_594 : vector<8x4096xi1>, vector<8x4096xf32>
    %slice3A_602 = vector.extract_strided_slice %reshape3A {offsets = [78, 0, 0], sizes = [1, 8, 4096], strides = [1, 1, 1]} : vector<128x8x4096xf32> to vector<1x8x4096xf32>
    %squeeze3A_603 = vector.shape_cast %slice3A_602 : vector<1x8x4096xf32> to vector<8x4096xf32>
    %gt3A_604 = arith.cmpf ogt, %squeeze3A_603, %max3A_598 : vector<8x4096xf32>
    %max3A_605 = arith.maximumf %max3A_598, %squeeze3A_603 : vector<8x4096xf32>
    %jit3A_606 = arith.constant 7.800000e+01 : f32
    %broadcast_in_dim3A_607 = vector.broadcast %jit3A_606 : f32 to vector<8x4096xf32>
    %select_n3A_608 = arith.select %gt3A_604, %broadcast_in_dim3A_607, %select_n3A_601 : vector<8x4096xi1>, vector<8x4096xf32>
    %slice3A_609 = vector.extract_strided_slice %reshape3A {offsets = [79, 0, 0], sizes = [1, 8, 4096], strides = [1, 1, 1]} : vector<128x8x4096xf32> to vector<1x8x4096xf32>
    %squeeze3A_610 = vector.shape_cast %slice3A_609 : vector<1x8x4096xf32> to vector<8x4096xf32>
    %gt3A_611 = arith.cmpf ogt, %squeeze3A_610, %max3A_605 : vector<8x4096xf32>
    %max3A_612 = arith.maximumf %max3A_605, %squeeze3A_610 : vector<8x4096xf32>
    %jit3A_613 = arith.constant 7.900000e+01 : f32
    %broadcast_in_dim3A_614 = vector.broadcast %jit3A_613 : f32 to vector<8x4096xf32>
    %select_n3A_615 = arith.select %gt3A_611, %broadcast_in_dim3A_614, %select_n3A_608 : vector<8x4096xi1>, vector<8x4096xf32>
    %slice3A_616 = vector.extract_strided_slice %reshape3A {offsets = [80, 0, 0], sizes = [1, 8, 4096], strides = [1, 1, 1]} : vector<128x8x4096xf32> to vector<1x8x4096xf32>
    %squeeze3A_617 = vector.shape_cast %slice3A_616 : vector<1x8x4096xf32> to vector<8x4096xf32>
    %gt3A_618 = arith.cmpf ogt, %squeeze3A_617, %max3A_612 : vector<8x4096xf32>
    %max3A_619 = arith.maximumf %max3A_612, %squeeze3A_617 : vector<8x4096xf32>
    %jit3A_620 = arith.constant 8.000000e+01 : f32
    %broadcast_in_dim3A_621 = vector.broadcast %jit3A_620 : f32 to vector<8x4096xf32>
    %select_n3A_622 = arith.select %gt3A_618, %broadcast_in_dim3A_621, %select_n3A_615 : vector<8x4096xi1>, vector<8x4096xf32>
    %slice3A_623 = vector.extract_strided_slice %reshape3A {offsets = [81, 0, 0], sizes = [1, 8, 4096], strides = [1, 1, 1]} : vector<128x8x4096xf32> to vector<1x8x4096xf32>
    %squeeze3A_624 = vector.shape_cast %slice3A_623 : vector<1x8x4096xf32> to vector<8x4096xf32>
    %gt3A_625 = arith.cmpf ogt, %squeeze3A_624, %max3A_619 : vector<8x4096xf32>
    %max3A_626 = arith.maximumf %max3A_619, %squeeze3A_624 : vector<8x4096xf32>
    %jit3A_627 = arith.constant 8.100000e+01 : f32
    %broadcast_in_dim3A_628 = vector.broadcast %jit3A_627 : f32 to vector<8x4096xf32>
    %select_n3A_629 = arith.select %gt3A_625, %broadcast_in_dim3A_628, %select_n3A_622 : vector<8x4096xi1>, vector<8x4096xf32>
    %slice3A_630 = vector.extract_strided_slice %reshape3A {offsets = [82, 0, 0], sizes = [1, 8, 4096], strides = [1, 1, 1]} : vector<128x8x4096xf32> to vector<1x8x4096xf32>
    %squeeze3A_631 = vector.shape_cast %slice3A_630 : vector<1x8x4096xf32> to vector<8x4096xf32>
    %gt3A_632 = arith.cmpf ogt, %squeeze3A_631, %max3A_626 : vector<8x4096xf32>
    %max3A_633 = arith.maximumf %max3A_626, %squeeze3A_631 : vector<8x4096xf32>
    %jit3A_634 = arith.constant 8.200000e+01 : f32
    %broadcast_in_dim3A_635 = vector.broadcast %jit3A_634 : f32 to vector<8x4096xf32>
    %select_n3A_636 = arith.select %gt3A_632, %broadcast_in_dim3A_635, %select_n3A_629 : vector<8x4096xi1>, vector<8x4096xf32>
    %slice3A_637 = vector.extract_strided_slice %reshape3A {offsets = [83, 0, 0], sizes = [1, 8, 4096], strides = [1, 1, 1]} : vector<128x8x4096xf32> to vector<1x8x4096xf32>
    %squeeze3A_638 = vector.shape_cast %slice3A_637 : vector<1x8x4096xf32> to vector<8x4096xf32>
    %gt3A_639 = arith.cmpf ogt, %squeeze3A_638, %max3A_633 : vector<8x4096xf32>
    %max3A_640 = arith.maximumf %max3A_633, %squeeze3A_638 : vector<8x4096xf32>
    %jit3A_641 = arith.constant 8.300000e+01 : f32
    %broadcast_in_dim3A_642 = vector.broadcast %jit3A_641 : f32 to vector<8x4096xf32>
    %select_n3A_643 = arith.select %gt3A_639, %broadcast_in_dim3A_642, %select_n3A_636 : vector<8x4096xi1>, vector<8x4096xf32>
    %slice3A_644 = vector.extract_strided_slice %reshape3A {offsets = [84, 0, 0], sizes = [1, 8, 4096], strides = [1, 1, 1]} : vector<128x8x4096xf32> to vector<1x8x4096xf32>
    %squeeze3A_645 = vector.shape_cast %slice3A_644 : vector<1x8x4096xf32> to vector<8x4096xf32>
    %gt3A_646 = arith.cmpf ogt, %squeeze3A_645, %max3A_640 : vector<8x4096xf32>
    %max3A_647 = arith.maximumf %max3A_640, %squeeze3A_645 : vector<8x4096xf32>
    %jit3A_648 = arith.constant 8.400000e+01 : f32
    %broadcast_in_dim3A_649 = vector.broadcast %jit3A_648 : f32 to vector<8x4096xf32>
    %select_n3A_650 = arith.select %gt3A_646, %broadcast_in_dim3A_649, %select_n3A_643 : vector<8x4096xi1>, vector<8x4096xf32>
    %slice3A_651 = vector.extract_strided_slice %reshape3A {offsets = [85, 0, 0], sizes = [1, 8, 4096], strides = [1, 1, 1]} : vector<128x8x4096xf32> to vector<1x8x4096xf32>
    %squeeze3A_652 = vector.shape_cast %slice3A_651 : vector<1x8x4096xf32> to vector<8x4096xf32>
    %gt3A_653 = arith.cmpf ogt, %squeeze3A_652, %max3A_647 : vector<8x4096xf32>
    %max3A_654 = arith.maximumf %max3A_647, %squeeze3A_652 : vector<8x4096xf32>
    %jit3A_655 = arith.constant 8.500000e+01 : f32
    %broadcast_in_dim3A_656 = vector.broadcast %jit3A_655 : f32 to vector<8x4096xf32>
    %select_n3A_657 = arith.select %gt3A_653, %broadcast_in_dim3A_656, %select_n3A_650 : vector<8x4096xi1>, vector<8x4096xf32>
    %slice3A_658 = vector.extract_strided_slice %reshape3A {offsets = [86, 0, 0], sizes = [1, 8, 4096], strides = [1, 1, 1]} : vector<128x8x4096xf32> to vector<1x8x4096xf32>
    %squeeze3A_659 = vector.shape_cast %slice3A_658 : vector<1x8x4096xf32> to vector<8x4096xf32>
    %gt3A_660 = arith.cmpf ogt, %squeeze3A_659, %max3A_654 : vector<8x4096xf32>
    %max3A_661 = arith.maximumf %max3A_654, %squeeze3A_659 : vector<8x4096xf32>
    %jit3A_662 = arith.constant 8.600000e+01 : f32
    %broadcast_in_dim3A_663 = vector.broadcast %jit3A_662 : f32 to vector<8x4096xf32>
    %select_n3A_664 = arith.select %gt3A_660, %broadcast_in_dim3A_663, %select_n3A_657 : vector<8x4096xi1>, vector<8x4096xf32>
    %slice3A_665 = vector.extract_strided_slice %reshape3A {offsets = [87, 0, 0], sizes = [1, 8, 4096], strides = [1, 1, 1]} : vector<128x8x4096xf32> to vector<1x8x4096xf32>
    %squeeze3A_666 = vector.shape_cast %slice3A_665 : vector<1x8x4096xf32> to vector<8x4096xf32>
    %gt3A_667 = arith.cmpf ogt, %squeeze3A_666, %max3A_661 : vector<8x4096xf32>
    %max3A_668 = arith.maximumf %max3A_661, %squeeze3A_666 : vector<8x4096xf32>
    %jit3A_669 = arith.constant 8.700000e+01 : f32
    %broadcast_in_dim3A_670 = vector.broadcast %jit3A_669 : f32 to vector<8x4096xf32>
    %select_n3A_671 = arith.select %gt3A_667, %broadcast_in_dim3A_670, %select_n3A_664 : vector<8x4096xi1>, vector<8x4096xf32>
    %slice3A_672 = vector.extract_strided_slice %reshape3A {offsets = [88, 0, 0], sizes = [1, 8, 4096], strides = [1, 1, 1]} : vector<128x8x4096xf32> to vector<1x8x4096xf32>
    %squeeze3A_673 = vector.shape_cast %slice3A_672 : vector<1x8x4096xf32> to vector<8x4096xf32>
    %gt3A_674 = arith.cmpf ogt, %squeeze3A_673, %max3A_668 : vector<8x4096xf32>
    %max3A_675 = arith.maximumf %max3A_668, %squeeze3A_673 : vector<8x4096xf32>
    %jit3A_676 = arith.constant 8.800000e+01 : f32
    %broadcast_in_dim3A_677 = vector.broadcast %jit3A_676 : f32 to vector<8x4096xf32>
    %select_n3A_678 = arith.select %gt3A_674, %broadcast_in_dim3A_677, %select_n3A_671 : vector<8x4096xi1>, vector<8x4096xf32>
    %slice3A_679 = vector.extract_strided_slice %reshape3A {offsets = [89, 0, 0], sizes = [1, 8, 4096], strides = [1, 1, 1]} : vector<128x8x4096xf32> to vector<1x8x4096xf32>
    %squeeze3A_680 = vector.shape_cast %slice3A_679 : vector<1x8x4096xf32> to vector<8x4096xf32>
    %gt3A_681 = arith.cmpf ogt, %squeeze3A_680, %max3A_675 : vector<8x4096xf32>
    %max3A_682 = arith.maximumf %max3A_675, %squeeze3A_680 : vector<8x4096xf32>
    %jit3A_683 = arith.constant 8.900000e+01 : f32
    %broadcast_in_dim3A_684 = vector.broadcast %jit3A_683 : f32 to vector<8x4096xf32>
    %select_n3A_685 = arith.select %gt3A_681, %broadcast_in_dim3A_684, %select_n3A_678 : vector<8x4096xi1>, vector<8x4096xf32>
    %slice3A_686 = vector.extract_strided_slice %reshape3A {offsets = [90, 0, 0], sizes = [1, 8, 4096], strides = [1, 1, 1]} : vector<128x8x4096xf32> to vector<1x8x4096xf32>
    %squeeze3A_687 = vector.shape_cast %slice3A_686 : vector<1x8x4096xf32> to vector<8x4096xf32>
    %gt3A_688 = arith.cmpf ogt, %squeeze3A_687, %max3A_682 : vector<8x4096xf32>
    %max3A_689 = arith.maximumf %max3A_682, %squeeze3A_687 : vector<8x4096xf32>
    %jit3A_690 = arith.constant 9.000000e+01 : f32
    %broadcast_in_dim3A_691 = vector.broadcast %jit3A_690 : f32 to vector<8x4096xf32>
    %select_n3A_692 = arith.select %gt3A_688, %broadcast_in_dim3A_691, %select_n3A_685 : vector<8x4096xi1>, vector<8x4096xf32>
    %slice3A_693 = vector.extract_strided_slice %reshape3A {offsets = [91, 0, 0], sizes = [1, 8, 4096], strides = [1, 1, 1]} : vector<128x8x4096xf32> to vector<1x8x4096xf32>
    %squeeze3A_694 = vector.shape_cast %slice3A_693 : vector<1x8x4096xf32> to vector<8x4096xf32>
    %gt3A_695 = arith.cmpf ogt, %squeeze3A_694, %max3A_689 : vector<8x4096xf32>
    %max3A_696 = arith.maximumf %max3A_689, %squeeze3A_694 : vector<8x4096xf32>
    %jit3A_697 = arith.constant 9.100000e+01 : f32
    %broadcast_in_dim3A_698 = vector.broadcast %jit3A_697 : f32 to vector<8x4096xf32>
    %select_n3A_699 = arith.select %gt3A_695, %broadcast_in_dim3A_698, %select_n3A_692 : vector<8x4096xi1>, vector<8x4096xf32>
    %slice3A_700 = vector.extract_strided_slice %reshape3A {offsets = [92, 0, 0], sizes = [1, 8, 4096], strides = [1, 1, 1]} : vector<128x8x4096xf32> to vector<1x8x4096xf32>
    %squeeze3A_701 = vector.shape_cast %slice3A_700 : vector<1x8x4096xf32> to vector<8x4096xf32>
    %gt3A_702 = arith.cmpf ogt, %squeeze3A_701, %max3A_696 : vector<8x4096xf32>
    %max3A_703 = arith.maximumf %max3A_696, %squeeze3A_701 : vector<8x4096xf32>
    %jit3A_704 = arith.constant 9.200000e+01 : f32
    %broadcast_in_dim3A_705 = vector.broadcast %jit3A_704 : f32 to vector<8x4096xf32>
    %select_n3A_706 = arith.select %gt3A_702, %broadcast_in_dim3A_705, %select_n3A_699 : vector<8x4096xi1>, vector<8x4096xf32>
    %slice3A_707 = vector.extract_strided_slice %reshape3A {offsets = [93, 0, 0], sizes = [1, 8, 4096], strides = [1, 1, 1]} : vector<128x8x4096xf32> to vector<1x8x4096xf32>
    %squeeze3A_708 = vector.shape_cast %slice3A_707 : vector<1x8x4096xf32> to vector<8x4096xf32>
    %gt3A_709 = arith.cmpf ogt, %squeeze3A_708, %max3A_703 : vector<8x4096xf32>
    %max3A_710 = arith.maximumf %max3A_703, %squeeze3A_708 : vector<8x4096xf32>
    %jit3A_711 = arith.constant 9.300000e+01 : f32
    %broadcast_in_dim3A_712 = vector.broadcast %jit3A_711 : f32 to vector<8x4096xf32>
    %select_n3A_713 = arith.select %gt3A_709, %broadcast_in_dim3A_712, %select_n3A_706 : vector<8x4096xi1>, vector<8x4096xf32>
    %slice3A_714 = vector.extract_strided_slice %reshape3A {offsets = [94, 0, 0], sizes = [1, 8, 4096], strides = [1, 1, 1]} : vector<128x8x4096xf32> to vector<1x8x4096xf32>
    %squeeze3A_715 = vector.shape_cast %slice3A_714 : vector<1x8x4096xf32> to vector<8x4096xf32>
    %gt3A_716 = arith.cmpf ogt, %squeeze3A_715, %max3A_710 : vector<8x4096xf32>
    %max3A_717 = arith.maximumf %max3A_710, %squeeze3A_715 : vector<8x4096xf32>
    %jit3A_718 = arith.constant 9.400000e+01 : f32
    %broadcast_in_dim3A_719 = vector.broadcast %jit3A_718 : f32 to vector<8x4096xf32>
    %select_n3A_720 = arith.select %gt3A_716, %broadcast_in_dim3A_719, %select_n3A_713 : vector<8x4096xi1>, vector<8x4096xf32>
    %slice3A_721 = vector.extract_strided_slice %reshape3A {offsets = [95, 0, 0], sizes = [1, 8, 4096], strides = [1, 1, 1]} : vector<128x8x4096xf32> to vector<1x8x4096xf32>
    %squeeze3A_722 = vector.shape_cast %slice3A_721 : vector<1x8x4096xf32> to vector<8x4096xf32>
    %gt3A_723 = arith.cmpf ogt, %squeeze3A_722, %max3A_717 : vector<8x4096xf32>
    %max3A_724 = arith.maximumf %max3A_717, %squeeze3A_722 : vector<8x4096xf32>
    %jit3A_725 = arith.constant 9.500000e+01 : f32
    %broadcast_in_dim3A_726 = vector.broadcast %jit3A_725 : f32 to vector<8x4096xf32>
    %select_n3A_727 = arith.select %gt3A_723, %broadcast_in_dim3A_726, %select_n3A_720 : vector<8x4096xi1>, vector<8x4096xf32>
    %slice3A_728 = vector.extract_strided_slice %reshape3A {offsets = [96, 0, 0], sizes = [1, 8, 4096], strides = [1, 1, 1]} : vector<128x8x4096xf32> to vector<1x8x4096xf32>
    %squeeze3A_729 = vector.shape_cast %slice3A_728 : vector<1x8x4096xf32> to vector<8x4096xf32>
    %gt3A_730 = arith.cmpf ogt, %squeeze3A_729, %max3A_724 : vector<8x4096xf32>
    %max3A_731 = arith.maximumf %max3A_724, %squeeze3A_729 : vector<8x4096xf32>
    %jit3A_732 = arith.constant 9.600000e+01 : f32
    %broadcast_in_dim3A_733 = vector.broadcast %jit3A_732 : f32 to vector<8x4096xf32>
    %select_n3A_734 = arith.select %gt3A_730, %broadcast_in_dim3A_733, %select_n3A_727 : vector<8x4096xi1>, vector<8x4096xf32>
    %slice3A_735 = vector.extract_strided_slice %reshape3A {offsets = [97, 0, 0], sizes = [1, 8, 4096], strides = [1, 1, 1]} : vector<128x8x4096xf32> to vector<1x8x4096xf32>
    %squeeze3A_736 = vector.shape_cast %slice3A_735 : vector<1x8x4096xf32> to vector<8x4096xf32>
    %gt3A_737 = arith.cmpf ogt, %squeeze3A_736, %max3A_731 : vector<8x4096xf32>
    %max3A_738 = arith.maximumf %max3A_731, %squeeze3A_736 : vector<8x4096xf32>
    %jit3A_739 = arith.constant 9.700000e+01 : f32
    %broadcast_in_dim3A_740 = vector.broadcast %jit3A_739 : f32 to vector<8x4096xf32>
    %select_n3A_741 = arith.select %gt3A_737, %broadcast_in_dim3A_740, %select_n3A_734 : vector<8x4096xi1>, vector<8x4096xf32>
    %slice3A_742 = vector.extract_strided_slice %reshape3A {offsets = [98, 0, 0], sizes = [1, 8, 4096], strides = [1, 1, 1]} : vector<128x8x4096xf32> to vector<1x8x4096xf32>
    %squeeze3A_743 = vector.shape_cast %slice3A_742 : vector<1x8x4096xf32> to vector<8x4096xf32>
    %gt3A_744 = arith.cmpf ogt, %squeeze3A_743, %max3A_738 : vector<8x4096xf32>
    %max3A_745 = arith.maximumf %max3A_738, %squeeze3A_743 : vector<8x4096xf32>
    %jit3A_746 = arith.constant 9.800000e+01 : f32
    %broadcast_in_dim3A_747 = vector.broadcast %jit3A_746 : f32 to vector<8x4096xf32>
    %select_n3A_748 = arith.select %gt3A_744, %broadcast_in_dim3A_747, %select_n3A_741 : vector<8x4096xi1>, vector<8x4096xf32>
    %slice3A_749 = vector.extract_strided_slice %reshape3A {offsets = [99, 0, 0], sizes = [1, 8, 4096], strides = [1, 1, 1]} : vector<128x8x4096xf32> to vector<1x8x4096xf32>
    %squeeze3A_750 = vector.shape_cast %slice3A_749 : vector<1x8x4096xf32> to vector<8x4096xf32>
    %gt3A_751 = arith.cmpf ogt, %squeeze3A_750, %max3A_745 : vector<8x4096xf32>
    %max3A_752 = arith.maximumf %max3A_745, %squeeze3A_750 : vector<8x4096xf32>
    %jit3A_753 = arith.constant 9.900000e+01 : f32
    %broadcast_in_dim3A_754 = vector.broadcast %jit3A_753 : f32 to vector<8x4096xf32>
    %select_n3A_755 = arith.select %gt3A_751, %broadcast_in_dim3A_754, %select_n3A_748 : vector<8x4096xi1>, vector<8x4096xf32>
    %slice3A_756 = vector.extract_strided_slice %reshape3A {offsets = [100, 0, 0], sizes = [1, 8, 4096], strides = [1, 1, 1]} : vector<128x8x4096xf32> to vector<1x8x4096xf32>
    %squeeze3A_757 = vector.shape_cast %slice3A_756 : vector<1x8x4096xf32> to vector<8x4096xf32>
    %gt3A_758 = arith.cmpf ogt, %squeeze3A_757, %max3A_752 : vector<8x4096xf32>
    %max3A_759 = arith.maximumf %max3A_752, %squeeze3A_757 : vector<8x4096xf32>
    %jit3A_760 = arith.constant 1.000000e+02 : f32
    %broadcast_in_dim3A_761 = vector.broadcast %jit3A_760 : f32 to vector<8x4096xf32>
    %select_n3A_762 = arith.select %gt3A_758, %broadcast_in_dim3A_761, %select_n3A_755 : vector<8x4096xi1>, vector<8x4096xf32>
    %slice3A_763 = vector.extract_strided_slice %reshape3A {offsets = [101, 0, 0], sizes = [1, 8, 4096], strides = [1, 1, 1]} : vector<128x8x4096xf32> to vector<1x8x4096xf32>
    %squeeze3A_764 = vector.shape_cast %slice3A_763 : vector<1x8x4096xf32> to vector<8x4096xf32>
    %gt3A_765 = arith.cmpf ogt, %squeeze3A_764, %max3A_759 : vector<8x4096xf32>
    %max3A_766 = arith.maximumf %max3A_759, %squeeze3A_764 : vector<8x4096xf32>
    %jit3A_767 = arith.constant 1.010000e+02 : f32
    %broadcast_in_dim3A_768 = vector.broadcast %jit3A_767 : f32 to vector<8x4096xf32>
    %select_n3A_769 = arith.select %gt3A_765, %broadcast_in_dim3A_768, %select_n3A_762 : vector<8x4096xi1>, vector<8x4096xf32>
    %slice3A_770 = vector.extract_strided_slice %reshape3A {offsets = [102, 0, 0], sizes = [1, 8, 4096], strides = [1, 1, 1]} : vector<128x8x4096xf32> to vector<1x8x4096xf32>
    %squeeze3A_771 = vector.shape_cast %slice3A_770 : vector<1x8x4096xf32> to vector<8x4096xf32>
    %gt3A_772 = arith.cmpf ogt, %squeeze3A_771, %max3A_766 : vector<8x4096xf32>
    %max3A_773 = arith.maximumf %max3A_766, %squeeze3A_771 : vector<8x4096xf32>
    %jit3A_774 = arith.constant 1.020000e+02 : f32
    %broadcast_in_dim3A_775 = vector.broadcast %jit3A_774 : f32 to vector<8x4096xf32>
    %select_n3A_776 = arith.select %gt3A_772, %broadcast_in_dim3A_775, %select_n3A_769 : vector<8x4096xi1>, vector<8x4096xf32>
    %slice3A_777 = vector.extract_strided_slice %reshape3A {offsets = [103, 0, 0], sizes = [1, 8, 4096], strides = [1, 1, 1]} : vector<128x8x4096xf32> to vector<1x8x4096xf32>
    %squeeze3A_778 = vector.shape_cast %slice3A_777 : vector<1x8x4096xf32> to vector<8x4096xf32>
    %gt3A_779 = arith.cmpf ogt, %squeeze3A_778, %max3A_773 : vector<8x4096xf32>
    %max3A_780 = arith.maximumf %max3A_773, %squeeze3A_778 : vector<8x4096xf32>
    %jit3A_781 = arith.constant 1.030000e+02 : f32
    %broadcast_in_dim3A_782 = vector.broadcast %jit3A_781 : f32 to vector<8x4096xf32>
    %select_n3A_783 = arith.select %gt3A_779, %broadcast_in_dim3A_782, %select_n3A_776 : vector<8x4096xi1>, vector<8x4096xf32>
    %slice3A_784 = vector.extract_strided_slice %reshape3A {offsets = [104, 0, 0], sizes = [1, 8, 4096], strides = [1, 1, 1]} : vector<128x8x4096xf32> to vector<1x8x4096xf32>
    %squeeze3A_785 = vector.shape_cast %slice3A_784 : vector<1x8x4096xf32> to vector<8x4096xf32>
    %gt3A_786 = arith.cmpf ogt, %squeeze3A_785, %max3A_780 : vector<8x4096xf32>
    %max3A_787 = arith.maximumf %max3A_780, %squeeze3A_785 : vector<8x4096xf32>
    %jit3A_788 = arith.constant 1.040000e+02 : f32
    %broadcast_in_dim3A_789 = vector.broadcast %jit3A_788 : f32 to vector<8x4096xf32>
    %select_n3A_790 = arith.select %gt3A_786, %broadcast_in_dim3A_789, %select_n3A_783 : vector<8x4096xi1>, vector<8x4096xf32>
    %slice3A_791 = vector.extract_strided_slice %reshape3A {offsets = [105, 0, 0], sizes = [1, 8, 4096], strides = [1, 1, 1]} : vector<128x8x4096xf32> to vector<1x8x4096xf32>
    %squeeze3A_792 = vector.shape_cast %slice3A_791 : vector<1x8x4096xf32> to vector<8x4096xf32>
    %gt3A_793 = arith.cmpf ogt, %squeeze3A_792, %max3A_787 : vector<8x4096xf32>
    %max3A_794 = arith.maximumf %max3A_787, %squeeze3A_792 : vector<8x4096xf32>
    %jit3A_795 = arith.constant 1.050000e+02 : f32
    %broadcast_in_dim3A_796 = vector.broadcast %jit3A_795 : f32 to vector<8x4096xf32>
    %select_n3A_797 = arith.select %gt3A_793, %broadcast_in_dim3A_796, %select_n3A_790 : vector<8x4096xi1>, vector<8x4096xf32>
    %slice3A_798 = vector.extract_strided_slice %reshape3A {offsets = [106, 0, 0], sizes = [1, 8, 4096], strides = [1, 1, 1]} : vector<128x8x4096xf32> to vector<1x8x4096xf32>
    %squeeze3A_799 = vector.shape_cast %slice3A_798 : vector<1x8x4096xf32> to vector<8x4096xf32>
    %gt3A_800 = arith.cmpf ogt, %squeeze3A_799, %max3A_794 : vector<8x4096xf32>
    %max3A_801 = arith.maximumf %max3A_794, %squeeze3A_799 : vector<8x4096xf32>
    %jit3A_802 = arith.constant 1.060000e+02 : f32
    %broadcast_in_dim3A_803 = vector.broadcast %jit3A_802 : f32 to vector<8x4096xf32>
    %select_n3A_804 = arith.select %gt3A_800, %broadcast_in_dim3A_803, %select_n3A_797 : vector<8x4096xi1>, vector<8x4096xf32>
    %slice3A_805 = vector.extract_strided_slice %reshape3A {offsets = [107, 0, 0], sizes = [1, 8, 4096], strides = [1, 1, 1]} : vector<128x8x4096xf32> to vector<1x8x4096xf32>
    %squeeze3A_806 = vector.shape_cast %slice3A_805 : vector<1x8x4096xf32> to vector<8x4096xf32>
    %gt3A_807 = arith.cmpf ogt, %squeeze3A_806, %max3A_801 : vector<8x4096xf32>
    %max3A_808 = arith.maximumf %max3A_801, %squeeze3A_806 : vector<8x4096xf32>
    %jit3A_809 = arith.constant 1.070000e+02 : f32
    %broadcast_in_dim3A_810 = vector.broadcast %jit3A_809 : f32 to vector<8x4096xf32>
    %select_n3A_811 = arith.select %gt3A_807, %broadcast_in_dim3A_810, %select_n3A_804 : vector<8x4096xi1>, vector<8x4096xf32>
    %slice3A_812 = vector.extract_strided_slice %reshape3A {offsets = [108, 0, 0], sizes = [1, 8, 4096], strides = [1, 1, 1]} : vector<128x8x4096xf32> to vector<1x8x4096xf32>
    %squeeze3A_813 = vector.shape_cast %slice3A_812 : vector<1x8x4096xf32> to vector<8x4096xf32>
    %gt3A_814 = arith.cmpf ogt, %squeeze3A_813, %max3A_808 : vector<8x4096xf32>
    %max3A_815 = arith.maximumf %max3A_808, %squeeze3A_813 : vector<8x4096xf32>
    %jit3A_816 = arith.constant 1.080000e+02 : f32
    %broadcast_in_dim3A_817 = vector.broadcast %jit3A_816 : f32 to vector<8x4096xf32>
    %select_n3A_818 = arith.select %gt3A_814, %broadcast_in_dim3A_817, %select_n3A_811 : vector<8x4096xi1>, vector<8x4096xf32>
    %slice3A_819 = vector.extract_strided_slice %reshape3A {offsets = [109, 0, 0], sizes = [1, 8, 4096], strides = [1, 1, 1]} : vector<128x8x4096xf32> to vector<1x8x4096xf32>
    %squeeze3A_820 = vector.shape_cast %slice3A_819 : vector<1x8x4096xf32> to vector<8x4096xf32>
    %gt3A_821 = arith.cmpf ogt, %squeeze3A_820, %max3A_815 : vector<8x4096xf32>
    %max3A_822 = arith.maximumf %max3A_815, %squeeze3A_820 : vector<8x4096xf32>
    %jit3A_823 = arith.constant 1.090000e+02 : f32
    %broadcast_in_dim3A_824 = vector.broadcast %jit3A_823 : f32 to vector<8x4096xf32>
    %select_n3A_825 = arith.select %gt3A_821, %broadcast_in_dim3A_824, %select_n3A_818 : vector<8x4096xi1>, vector<8x4096xf32>
    %slice3A_826 = vector.extract_strided_slice %reshape3A {offsets = [110, 0, 0], sizes = [1, 8, 4096], strides = [1, 1, 1]} : vector<128x8x4096xf32> to vector<1x8x4096xf32>
    %squeeze3A_827 = vector.shape_cast %slice3A_826 : vector<1x8x4096xf32> to vector<8x4096xf32>
    %gt3A_828 = arith.cmpf ogt, %squeeze3A_827, %max3A_822 : vector<8x4096xf32>
    %max3A_829 = arith.maximumf %max3A_822, %squeeze3A_827 : vector<8x4096xf32>
    %jit3A_830 = arith.constant 1.100000e+02 : f32
    %broadcast_in_dim3A_831 = vector.broadcast %jit3A_830 : f32 to vector<8x4096xf32>
    %select_n3A_832 = arith.select %gt3A_828, %broadcast_in_dim3A_831, %select_n3A_825 : vector<8x4096xi1>, vector<8x4096xf32>
    %slice3A_833 = vector.extract_strided_slice %reshape3A {offsets = [111, 0, 0], sizes = [1, 8, 4096], strides = [1, 1, 1]} : vector<128x8x4096xf32> to vector<1x8x4096xf32>
    %squeeze3A_834 = vector.shape_cast %slice3A_833 : vector<1x8x4096xf32> to vector<8x4096xf32>
    %gt3A_835 = arith.cmpf ogt, %squeeze3A_834, %max3A_829 : vector<8x4096xf32>
    %max3A_836 = arith.maximumf %max3A_829, %squeeze3A_834 : vector<8x4096xf32>
    %jit3A_837 = arith.constant 1.110000e+02 : f32
    %broadcast_in_dim3A_838 = vector.broadcast %jit3A_837 : f32 to vector<8x4096xf32>
    %select_n3A_839 = arith.select %gt3A_835, %broadcast_in_dim3A_838, %select_n3A_832 : vector<8x4096xi1>, vector<8x4096xf32>
    %slice3A_840 = vector.extract_strided_slice %reshape3A {offsets = [112, 0, 0], sizes = [1, 8, 4096], strides = [1, 1, 1]} : vector<128x8x4096xf32> to vector<1x8x4096xf32>
    %squeeze3A_841 = vector.shape_cast %slice3A_840 : vector<1x8x4096xf32> to vector<8x4096xf32>
    %gt3A_842 = arith.cmpf ogt, %squeeze3A_841, %max3A_836 : vector<8x4096xf32>
    %max3A_843 = arith.maximumf %max3A_836, %squeeze3A_841 : vector<8x4096xf32>
    %jit3A_844 = arith.constant 1.120000e+02 : f32
    %broadcast_in_dim3A_845 = vector.broadcast %jit3A_844 : f32 to vector<8x4096xf32>
    %select_n3A_846 = arith.select %gt3A_842, %broadcast_in_dim3A_845, %select_n3A_839 : vector<8x4096xi1>, vector<8x4096xf32>
    %slice3A_847 = vector.extract_strided_slice %reshape3A {offsets = [113, 0, 0], sizes = [1, 8, 4096], strides = [1, 1, 1]} : vector<128x8x4096xf32> to vector<1x8x4096xf32>
    %squeeze3A_848 = vector.shape_cast %slice3A_847 : vector<1x8x4096xf32> to vector<8x4096xf32>
    %gt3A_849 = arith.cmpf ogt, %squeeze3A_848, %max3A_843 : vector<8x4096xf32>
    %max3A_850 = arith.maximumf %max3A_843, %squeeze3A_848 : vector<8x4096xf32>
    %jit3A_851 = arith.constant 1.130000e+02 : f32
    %broadcast_in_dim3A_852 = vector.broadcast %jit3A_851 : f32 to vector<8x4096xf32>
    %select_n3A_853 = arith.select %gt3A_849, %broadcast_in_dim3A_852, %select_n3A_846 : vector<8x4096xi1>, vector<8x4096xf32>
    %slice3A_854 = vector.extract_strided_slice %reshape3A {offsets = [114, 0, 0], sizes = [1, 8, 4096], strides = [1, 1, 1]} : vector<128x8x4096xf32> to vector<1x8x4096xf32>
    %squeeze3A_855 = vector.shape_cast %slice3A_854 : vector<1x8x4096xf32> to vector<8x4096xf32>
    %gt3A_856 = arith.cmpf ogt, %squeeze3A_855, %max3A_850 : vector<8x4096xf32>
    %max3A_857 = arith.maximumf %max3A_850, %squeeze3A_855 : vector<8x4096xf32>
    %jit3A_858 = arith.constant 1.140000e+02 : f32
    %broadcast_in_dim3A_859 = vector.broadcast %jit3A_858 : f32 to vector<8x4096xf32>
    %select_n3A_860 = arith.select %gt3A_856, %broadcast_in_dim3A_859, %select_n3A_853 : vector<8x4096xi1>, vector<8x4096xf32>
    %slice3A_861 = vector.extract_strided_slice %reshape3A {offsets = [115, 0, 0], sizes = [1, 8, 4096], strides = [1, 1, 1]} : vector<128x8x4096xf32> to vector<1x8x4096xf32>
    %squeeze3A_862 = vector.shape_cast %slice3A_861 : vector<1x8x4096xf32> to vector<8x4096xf32>
    %gt3A_863 = arith.cmpf ogt, %squeeze3A_862, %max3A_857 : vector<8x4096xf32>
    %max3A_864 = arith.maximumf %max3A_857, %squeeze3A_862 : vector<8x4096xf32>
    %jit3A_865 = arith.constant 1.150000e+02 : f32
    %broadcast_in_dim3A_866 = vector.broadcast %jit3A_865 : f32 to vector<8x4096xf32>
    %select_n3A_867 = arith.select %gt3A_863, %broadcast_in_dim3A_866, %select_n3A_860 : vector<8x4096xi1>, vector<8x4096xf32>
    %slice3A_868 = vector.extract_strided_slice %reshape3A {offsets = [116, 0, 0], sizes = [1, 8, 4096], strides = [1, 1, 1]} : vector<128x8x4096xf32> to vector<1x8x4096xf32>
    %squeeze3A_869 = vector.shape_cast %slice3A_868 : vector<1x8x4096xf32> to vector<8x4096xf32>
    %gt3A_870 = arith.cmpf ogt, %squeeze3A_869, %max3A_864 : vector<8x4096xf32>
    %max3A_871 = arith.maximumf %max3A_864, %squeeze3A_869 : vector<8x4096xf32>
    %jit3A_872 = arith.constant 1.160000e+02 : f32
    %broadcast_in_dim3A_873 = vector.broadcast %jit3A_872 : f32 to vector<8x4096xf32>
    %select_n3A_874 = arith.select %gt3A_870, %broadcast_in_dim3A_873, %select_n3A_867 : vector<8x4096xi1>, vector<8x4096xf32>
    %slice3A_875 = vector.extract_strided_slice %reshape3A {offsets = [117, 0, 0], sizes = [1, 8, 4096], strides = [1, 1, 1]} : vector<128x8x4096xf32> to vector<1x8x4096xf32>
    %squeeze3A_876 = vector.shape_cast %slice3A_875 : vector<1x8x4096xf32> to vector<8x4096xf32>
    %gt3A_877 = arith.cmpf ogt, %squeeze3A_876, %max3A_871 : vector<8x4096xf32>
    %max3A_878 = arith.maximumf %max3A_871, %squeeze3A_876 : vector<8x4096xf32>
    %jit3A_879 = arith.constant 1.170000e+02 : f32
    %broadcast_in_dim3A_880 = vector.broadcast %jit3A_879 : f32 to vector<8x4096xf32>
    %select_n3A_881 = arith.select %gt3A_877, %broadcast_in_dim3A_880, %select_n3A_874 : vector<8x4096xi1>, vector<8x4096xf32>
    %slice3A_882 = vector.extract_strided_slice %reshape3A {offsets = [118, 0, 0], sizes = [1, 8, 4096], strides = [1, 1, 1]} : vector<128x8x4096xf32> to vector<1x8x4096xf32>
    %squeeze3A_883 = vector.shape_cast %slice3A_882 : vector<1x8x4096xf32> to vector<8x4096xf32>
    %gt3A_884 = arith.cmpf ogt, %squeeze3A_883, %max3A_878 : vector<8x4096xf32>
    %max3A_885 = arith.maximumf %max3A_878, %squeeze3A_883 : vector<8x4096xf32>
    %jit3A_886 = arith.constant 1.180000e+02 : f32
    %broadcast_in_dim3A_887 = vector.broadcast %jit3A_886 : f32 to vector<8x4096xf32>
    %select_n3A_888 = arith.select %gt3A_884, %broadcast_in_dim3A_887, %select_n3A_881 : vector<8x4096xi1>, vector<8x4096xf32>
    %slice3A_889 = vector.extract_strided_slice %reshape3A {offsets = [119, 0, 0], sizes = [1, 8, 4096], strides = [1, 1, 1]} : vector<128x8x4096xf32> to vector<1x8x4096xf32>
    %squeeze3A_890 = vector.shape_cast %slice3A_889 : vector<1x8x4096xf32> to vector<8x4096xf32>
    %gt3A_891 = arith.cmpf ogt, %squeeze3A_890, %max3A_885 : vector<8x4096xf32>
    %max3A_892 = arith.maximumf %max3A_885, %squeeze3A_890 : vector<8x4096xf32>
    %jit3A_893 = arith.constant 1.190000e+02 : f32
    %broadcast_in_dim3A_894 = vector.broadcast %jit3A_893 : f32 to vector<8x4096xf32>
    %select_n3A_895 = arith.select %gt3A_891, %broadcast_in_dim3A_894, %select_n3A_888 : vector<8x4096xi1>, vector<8x4096xf32>
    %slice3A_896 = vector.extract_strided_slice %reshape3A {offsets = [120, 0, 0], sizes = [1, 8, 4096], strides = [1, 1, 1]} : vector<128x8x4096xf32> to vector<1x8x4096xf32>
    %squeeze3A_897 = vector.shape_cast %slice3A_896 : vector<1x8x4096xf32> to vector<8x4096xf32>
    %gt3A_898 = arith.cmpf ogt, %squeeze3A_897, %max3A_892 : vector<8x4096xf32>
    %max3A_899 = arith.maximumf %max3A_892, %squeeze3A_897 : vector<8x4096xf32>
    %jit3A_900 = arith.constant 1.200000e+02 : f32
    %broadcast_in_dim3A_901 = vector.broadcast %jit3A_900 : f32 to vector<8x4096xf32>
    %select_n3A_902 = arith.select %gt3A_898, %broadcast_in_dim3A_901, %select_n3A_895 : vector<8x4096xi1>, vector<8x4096xf32>
    %slice3A_903 = vector.extract_strided_slice %reshape3A {offsets = [121, 0, 0], sizes = [1, 8, 4096], strides = [1, 1, 1]} : vector<128x8x4096xf32> to vector<1x8x4096xf32>
    %squeeze3A_904 = vector.shape_cast %slice3A_903 : vector<1x8x4096xf32> to vector<8x4096xf32>
    %gt3A_905 = arith.cmpf ogt, %squeeze3A_904, %max3A_899 : vector<8x4096xf32>
    %max3A_906 = arith.maximumf %max3A_899, %squeeze3A_904 : vector<8x4096xf32>
    %jit3A_907 = arith.constant 1.210000e+02 : f32
    %broadcast_in_dim3A_908 = vector.broadcast %jit3A_907 : f32 to vector<8x4096xf32>
    %select_n3A_909 = arith.select %gt3A_905, %broadcast_in_dim3A_908, %select_n3A_902 : vector<8x4096xi1>, vector<8x4096xf32>
    %slice3A_910 = vector.extract_strided_slice %reshape3A {offsets = [122, 0, 0], sizes = [1, 8, 4096], strides = [1, 1, 1]} : vector<128x8x4096xf32> to vector<1x8x4096xf32>
    %squeeze3A_911 = vector.shape_cast %slice3A_910 : vector<1x8x4096xf32> to vector<8x4096xf32>
    %gt3A_912 = arith.cmpf ogt, %squeeze3A_911, %max3A_906 : vector<8x4096xf32>
    %max3A_913 = arith.maximumf %max3A_906, %squeeze3A_911 : vector<8x4096xf32>
    %jit3A_914 = arith.constant 1.220000e+02 : f32
    %broadcast_in_dim3A_915 = vector.broadcast %jit3A_914 : f32 to vector<8x4096xf32>
    %select_n3A_916 = arith.select %gt3A_912, %broadcast_in_dim3A_915, %select_n3A_909 : vector<8x4096xi1>, vector<8x4096xf32>
    %slice3A_917 = vector.extract_strided_slice %reshape3A {offsets = [123, 0, 0], sizes = [1, 8, 4096], strides = [1, 1, 1]} : vector<128x8x4096xf32> to vector<1x8x4096xf32>
    %squeeze3A_918 = vector.shape_cast %slice3A_917 : vector<1x8x4096xf32> to vector<8x4096xf32>
    %gt3A_919 = arith.cmpf ogt, %squeeze3A_918, %max3A_913 : vector<8x4096xf32>
    %max3A_920 = arith.maximumf %max3A_913, %squeeze3A_918 : vector<8x4096xf32>
    %jit3A_921 = arith.constant 1.230000e+02 : f32
    %broadcast_in_dim3A_922 = vector.broadcast %jit3A_921 : f32 to vector<8x4096xf32>
    %select_n3A_923 = arith.select %gt3A_919, %broadcast_in_dim3A_922, %select_n3A_916 : vector<8x4096xi1>, vector<8x4096xf32>
    %slice3A_924 = vector.extract_strided_slice %reshape3A {offsets = [124, 0, 0], sizes = [1, 8, 4096], strides = [1, 1, 1]} : vector<128x8x4096xf32> to vector<1x8x4096xf32>
    %squeeze3A_925 = vector.shape_cast %slice3A_924 : vector<1x8x4096xf32> to vector<8x4096xf32>
    %gt3A_926 = arith.cmpf ogt, %squeeze3A_925, %max3A_920 : vector<8x4096xf32>
    %max3A_927 = arith.maximumf %max3A_920, %squeeze3A_925 : vector<8x4096xf32>
    %jit3A_928 = arith.constant 1.240000e+02 : f32
    %broadcast_in_dim3A_929 = vector.broadcast %jit3A_928 : f32 to vector<8x4096xf32>
    %select_n3A_930 = arith.select %gt3A_926, %broadcast_in_dim3A_929, %select_n3A_923 : vector<8x4096xi1>, vector<8x4096xf32>
    %slice3A_931 = vector.extract_strided_slice %reshape3A {offsets = [125, 0, 0], sizes = [1, 8, 4096], strides = [1, 1, 1]} : vector<128x8x4096xf32> to vector<1x8x4096xf32>
    %squeeze3A_932 = vector.shape_cast %slice3A_931 : vector<1x8x4096xf32> to vector<8x4096xf32>
    %gt3A_933 = arith.cmpf ogt, %squeeze3A_932, %max3A_927 : vector<8x4096xf32>
    %max3A_934 = arith.maximumf %max3A_927, %squeeze3A_932 : vector<8x4096xf32>
    %jit3A_935 = arith.constant 1.250000e+02 : f32
    %broadcast_in_dim3A_936 = vector.broadcast %jit3A_935 : f32 to vector<8x4096xf32>
    %select_n3A_937 = arith.select %gt3A_933, %broadcast_in_dim3A_936, %select_n3A_930 : vector<8x4096xi1>, vector<8x4096xf32>
    %slice3A_938 = vector.extract_strided_slice %reshape3A {offsets = [126, 0, 0], sizes = [1, 8, 4096], strides = [1, 1, 1]} : vector<128x8x4096xf32> to vector<1x8x4096xf32>
    %squeeze3A_939 = vector.shape_cast %slice3A_938 : vector<1x8x4096xf32> to vector<8x4096xf32>
    %gt3A_940 = arith.cmpf ogt, %squeeze3A_939, %max3A_934 : vector<8x4096xf32>
    %max3A_941 = arith.maximumf %max3A_934, %squeeze3A_939 : vector<8x4096xf32>
    %jit3A_942 = arith.constant 1.260000e+02 : f32
    %broadcast_in_dim3A_943 = vector.broadcast %jit3A_942 : f32 to vector<8x4096xf32>
    %select_n3A_944 = arith.select %gt3A_940, %broadcast_in_dim3A_943, %select_n3A_937 : vector<8x4096xi1>, vector<8x4096xf32>
    %slice3A_945 = vector.extract_strided_slice %reshape3A {offsets = [127, 0, 0], sizes = [1, 8, 4096], strides = [1, 1, 1]} : vector<128x8x4096xf32> to vector<1x8x4096xf32>
    %squeeze3A_946 = vector.shape_cast %slice3A_945 : vector<1x8x4096xf32> to vector<8x4096xf32>
    %gt3A_947 = arith.cmpf ogt, %squeeze3A_946, %max3A_941 : vector<8x4096xf32>
    %max3A_948 = arith.maximumf %max3A_941, %squeeze3A_946 : vector<8x4096xf32>
    %jit3A_949 = arith.constant 1.270000e+02 : f32
    %broadcast_in_dim3A_950 = vector.broadcast %jit3A_949 : f32 to vector<8x4096xf32>
    %select_n3A_951 = arith.select %gt3A_947, %broadcast_in_dim3A_950, %select_n3A_944 : vector<8x4096xi1>, vector<8x4096xf32>
    %iota3A = tpu.iota {dimensions = array<i32: 0>} : vector<8x4096xi32>
    %convert_element_type3A = arith.sitofp %iota3A : vector<8x4096xi32> to vector<8x4096xf32>
    %slice3A_952 = vector.extract_strided_slice %max3A_948 {offsets = [0, 0], sizes = [4, 4096], strides = [1, 1]} : vector<8x4096xf32> to vector<4x4096xf32>
    %slice3A_953 = vector.extract_strided_slice %max3A_948 {offsets = [4, 0], sizes = [4, 4096], strides = [1, 1]} : vector<8x4096xf32> to vector<4x4096xf32>
    %slice3A_954 = vector.extract_strided_slice %select_n3A_951 {offsets = [0, 0], sizes = [4, 4096], strides = [1, 1]} : vector<8x4096xf32> to vector<4x4096xf32>
    %slice3A_955 = vector.extract_strided_slice %select_n3A_951 {offsets = [4, 0], sizes = [4, 4096], strides = [1, 1]} : vector<8x4096xf32> to vector<4x4096xf32>
    %slice3A_956 = vector.extract_strided_slice %convert_element_type3A {offsets = [0, 0], sizes = [4, 4096], strides = [1, 1]} : vector<8x4096xf32> to vector<4x4096xf32>
    %slice3A_957 = vector.extract_strided_slice %convert_element_type3A {offsets = [4, 0], sizes = [4, 4096], strides = [1, 1]} : vector<8x4096xf32> to vector<4x4096xf32>
    %gt3A_958 = arith.cmpf ogt, %slice3A_953, %slice3A_952 : vector<4x4096xf32>
    %eq3A = arith.cmpf oeq, %slice3A_953, %slice3A_952 : vector<4x4096xf32>
    %lt3A = arith.cmpf olt, %slice3A_955, %slice3A_954 : vector<4x4096xf32>
    %eq3A_959 = arith.cmpf oeq, %slice3A_955, %slice3A_954 : vector<4x4096xf32>
    %lt3A_960 = arith.cmpf olt, %slice3A_957, %slice3A_956 : vector<4x4096xf32>
    %and3A = arith.andi %eq3A_959, %lt3A_960 : vector<4x4096xi1>
    %or3A = arith.ori %lt3A, %and3A : vector<4x4096xi1>
    %and3A_961 = arith.andi %eq3A, %or3A : vector<4x4096xi1>
    %or3A_962 = arith.ori %gt3A_958, %and3A_961 : vector<4x4096xi1>
    %select_n3A_963 = arith.select %or3A_962, %slice3A_953, %slice3A_952 : vector<4x4096xi1>, vector<4x4096xf32>
    %select_n3A_964 = arith.select %or3A_962, %slice3A_955, %slice3A_954 : vector<4x4096xi1>, vector<4x4096xf32>
    %select_n3A_965 = arith.select %or3A_962, %slice3A_957, %slice3A_956 : vector<4x4096xi1>, vector<4x4096xf32>
    %slice3A_966 = vector.extract_strided_slice %select_n3A_963 {offsets = [0, 0], sizes = [2, 4096], strides = [1, 1]} : vector<4x4096xf32> to vector<2x4096xf32>
    %slice3A_967 = vector.extract_strided_slice %select_n3A_963 {offsets = [2, 0], sizes = [2, 4096], strides = [1, 1]} : vector<4x4096xf32> to vector<2x4096xf32>
    %slice3A_968 = vector.extract_strided_slice %select_n3A_964 {offsets = [0, 0], sizes = [2, 4096], strides = [1, 1]} : vector<4x4096xf32> to vector<2x4096xf32>
    %slice3A_969 = vector.extract_strided_slice %select_n3A_964 {offsets = [2, 0], sizes = [2, 4096], strides = [1, 1]} : vector<4x4096xf32> to vector<2x4096xf32>
    %slice3A_970 = vector.extract_strided_slice %select_n3A_965 {offsets = [0, 0], sizes = [2, 4096], strides = [1, 1]} : vector<4x4096xf32> to vector<2x4096xf32>
    %slice3A_971 = vector.extract_strided_slice %select_n3A_965 {offsets = [2, 0], sizes = [2, 4096], strides = [1, 1]} : vector<4x4096xf32> to vector<2x4096xf32>
    %gt3A_972 = arith.cmpf ogt, %slice3A_967, %slice3A_966 : vector<2x4096xf32>
    %eq3A_973 = arith.cmpf oeq, %slice3A_967, %slice3A_966 : vector<2x4096xf32>
    %lt3A_974 = arith.cmpf olt, %slice3A_969, %slice3A_968 : vector<2x4096xf32>
    %eq3A_975 = arith.cmpf oeq, %slice3A_969, %slice3A_968 : vector<2x4096xf32>
    %lt3A_976 = arith.cmpf olt, %slice3A_971, %slice3A_970 : vector<2x4096xf32>
    %and3A_977 = arith.andi %eq3A_975, %lt3A_976 : vector<2x4096xi1>
    %or3A_978 = arith.ori %lt3A_974, %and3A_977 : vector<2x4096xi1>
    %and3A_979 = arith.andi %eq3A_973, %or3A_978 : vector<2x4096xi1>
    %or3A_980 = arith.ori %gt3A_972, %and3A_979 : vector<2x4096xi1>
    %select_n3A_981 = arith.select %or3A_980, %slice3A_967, %slice3A_966 : vector<2x4096xi1>, vector<2x4096xf32>
    %select_n3A_982 = arith.select %or3A_980, %slice3A_969, %slice3A_968 : vector<2x4096xi1>, vector<2x4096xf32>
    %select_n3A_983 = arith.select %or3A_980, %slice3A_971, %slice3A_970 : vector<2x4096xi1>, vector<2x4096xf32>
    %slice3A_984 = vector.extract_strided_slice %select_n3A_981 {offsets = [0, 0], sizes = [1, 4096], strides = [1, 1]} : vector<2x4096xf32> to vector<1x4096xf32>
    %slice3A_985 = vector.extract_strided_slice %select_n3A_981 {offsets = [1, 0], sizes = [1, 4096], strides = [1, 1]} : vector<2x4096xf32> to vector<1x4096xf32>
    %slice3A_986 = vector.extract_strided_slice %select_n3A_982 {offsets = [0, 0], sizes = [1, 4096], strides = [1, 1]} : vector<2x4096xf32> to vector<1x4096xf32>
    %slice3A_987 = vector.extract_strided_slice %select_n3A_982 {offsets = [1, 0], sizes = [1, 4096], strides = [1, 1]} : vector<2x4096xf32> to vector<1x4096xf32>
    %slice3A_988 = vector.extract_strided_slice %select_n3A_983 {offsets = [0, 0], sizes = [1, 4096], strides = [1, 1]} : vector<2x4096xf32> to vector<1x4096xf32>
    %slice3A_989 = vector.extract_strided_slice %select_n3A_983 {offsets = [1, 0], sizes = [1, 4096], strides = [1, 1]} : vector<2x4096xf32> to vector<1x4096xf32>
    %gt3A_990 = arith.cmpf ogt, %slice3A_985, %slice3A_984 : vector<1x4096xf32>
    %eq3A_991 = arith.cmpf oeq, %slice3A_985, %slice3A_984 : vector<1x4096xf32>
    %lt3A_992 = arith.cmpf olt, %slice3A_987, %slice3A_986 : vector<1x4096xf32>
    %eq3A_993 = arith.cmpf oeq, %slice3A_987, %slice3A_986 : vector<1x4096xf32>
    %lt3A_994 = arith.cmpf olt, %slice3A_989, %slice3A_988 : vector<1x4096xf32>
    %and3A_995 = arith.andi %eq3A_993, %lt3A_994 : vector<1x4096xi1>
    %or3A_996 = arith.ori %lt3A_992, %and3A_995 : vector<1x4096xi1>
    %and3A_997 = arith.andi %eq3A_991, %or3A_996 : vector<1x4096xi1>
    %or3A_998 = arith.ori %gt3A_990, %and3A_997 : vector<1x4096xi1>
    %select_n3A_999 = arith.select %or3A_998, %slice3A_985, %slice3A_984 : vector<1x4096xi1>, vector<1x4096xf32>
    %select_n3A_1000 = arith.select %or3A_998, %slice3A_987, %slice3A_986 : vector<1x4096xi1>, vector<1x4096xf32>
    %select_n3A_1001 = arith.select %or3A_998, %slice3A_989, %slice3A_988 : vector<1x4096xi1>, vector<1x4096xf32>
    %mul3A_1002 = arith.constant 8.000000e+00 : f32
    %mul3A_1003 = vector.broadcast %mul3A_1002 : f32 to vector<1x4096xf32>
    %mul3A_1004 = arith.mulf %select_n3A_1000, %mul3A_1003 : vector<1x4096xf32>
    %add3A_1005 = arith.addf %mul3A_1004, %select_n3A_1001 : vector<1x4096xf32>
    %convert_element_type3A_1006 = arith.fptosi %add3A_1005 : vector<1x4096xf32> to vector<1x4096xi32>
    %reshape3A_1007 = vector.shape_cast %convert_element_type3A_1006 : vector<1x4096xi32> to vector<4096xi32>
    %swap3A = arith.constant 0 : index
    %swap3A_1008 = arith.constant 0 : index
    %swap3A_1009 = arith.constant 0 : index
    %swap3A_1010 = vector.load %arg9[%swap3A, %swap3A_1008, %swap3A_1009] : memref<1x1x4096xi32, #tpu.memory_space<vmem>>, vector<1x1x4096xi32>
    %swap3A_1011 = vector.shape_cast %swap3A_1010 : vector<1x1x4096xi32> to vector<4096xi32>
    %swap3A_1012 = vector.shape_cast %reshape3A_1007 : vector<4096xi32> to vector<1x1x4096xi32>
    tpu.vector_store %arg9[%swap3A, %swap3A_1008, %swap3A_1009], %swap3A_1012 {strides = array<i32>} : memref<1x1x4096xi32, #tpu.memory_space<vmem>>, vector<1x1x4096xi32>,
    %reduce_sum3A_1013 = vector.shape_cast %broadcast_in_dim3A_59 : vector<4096x1xf32> to vector<1x4096x1xf32>
    %reduce_sum3A_1014 = arith.constant dense<0.000000e+00> : vector<1xf32>
    %reduce_sum3A_1015 = vector.multi_reduction <add>, %reduce_sum3A_1013, %reduce_sum3A_1014 [1, 2] : vector<1x4096x1xf32> to vector<1xf32>
    %reduce_sum3A_1016 = vector.shape_cast %reduce_sum3A_1015 : vector<1xf32> to vector<1x1x1xf32>
    %reduce_sum3A_1017 = vector.extract %reduce_sum3A_1016[0, 0, 0] : f32 from vector<1x1x1xf32>
    %reduce_sum3A_1018 = vector.shape_cast %select_n3A_999 : vector<1x4096xf32> to vector<1x1x4096xf32>
    %reduce_sum3A_1019 = arith.constant dense<0.000000e+00> : vector<1xf32>
    %reduce_sum3A_1020 = vector.multi_reduction <add>, %reduce_sum3A_1018, %reduce_sum3A_1019 [1, 2] : vector<1x1x4096xf32> to vector<1xf32>
    %reduce_sum3A_1021 = vector.shape_cast %reduce_sum3A_1020 : vector<1xf32> to vector<1x1x1xf32>
    %reduce_sum3A_1022 = vector.extract %reduce_sum3A_1021[0, 0, 0] : f32 from vector<1x1x1xf32>
    %mul3A_1023 = arith.constant 2.000000e+00 : f32
    %mul3A_1024 = arith.mulf %mul3A_1023, %reduce_sum3A_1022 : f32
    %sub3A_1025 = arith.subf %reduce_sum3A_1017, %mul3A_1024 : f32
    %eq3A_1026 = arith.constant 0 : i32
    %eq3A_1027 = arith.cmpi eq, %arg0, %eq3A_1026 : i32
    %convert_element_type3A_1028 = arith.extui %eq3A_1027 : i1 to i32
    %cond3A = arith.constant 0 : i32
    %cond3A_1029 = arith.cmpi ne, %convert_element_type3A_1028, %cond3A : i32
    scf.if %cond3A_1029 {
      %broadcast_in_dim3A_1043 = arith.constant 0.000000e+00 : f32
      %broadcast_in_dim3A_1044 = vector.broadcast %broadcast_in_dim3A_1043 : f32 to vector<1x1xf32>
      %swap3A_1045 = arith.constant 0 : index
      %swap3A_1046 = arith.constant 0 : index
      %swap3A_1047 = vector.load %arg11[%swap3A_1045, %swap3A_1046] : memref<1x1xf32, #tpu.memory_space<vmem>>, vector<1x1xf32>
      tpu.vector_store %arg11[%swap3A_1045, %swap3A_1046], %broadcast_in_dim3A_1044 {strides = array<i32>} : memref<1x1xf32, #tpu.memory_space<vmem>>, vector<1x1xf32>,
      %get3A_1048 = arith.constant 0 : index
      %get3A_1049 = arith.constant 0 : index
      %get3A_1050 = vector.load %arg6[%get3A_1048, %get3A_1049] : memref<32x384xf32, #tpu.memory_space<vmem>>, vector<32x384xf32>
      %dot_general3A_1051 = arith.constant dense<0.000000e+00> : vector<1024x384xf32>
      %dot_general3A_1052 = tpu.matmul %get3A_48, %get3A_1050, %dot_general3A_1051 {dimension_numbers = #tpu.dot_dimension_numbers<[1], [0], [0], [1], [0, 0, 1, 1], [], []>, transpose_lhs_hint = false} : vector<1024x32xf32>, vector<32x384xf32>, vector<1024x384xf32> -> vector<1024x384xf32>
      %get3A_1053 = arith.constant 0 : index
      %get3A_1054 = arith.constant 0 : index
      %get3A_1055 = vector.load %arg7[%get3A_1053, %get3A_1054] : memref<1x384xf32, #tpu.memory_space<vmem>>, vector<1x384xf32>
      %add3A_1056 = vector.broadcast %get3A_1055 : vector<1x384xf32> to vector<1024x384xf32>
      %add3A_1057 = arith.addf %dot_general3A_1052, %add3A_1056 : vector<1024x384xf32>
      %swap3A_1058 = arith.constant 0 : index
      %swap3A_1059 = arith.constant 0 : index
      %swap3A_1060 = vector.load %arg10[%swap3A_1058, %swap3A_1059] : memref<1024x384xf32, #tpu.memory_space<vmem>>, vector<1024x384xf32>
      tpu.vector_store %arg10[%swap3A_1058, %swap3A_1059], %add3A_1057 {strides = array<i32>} : memref<1024x384xf32, #tpu.memory_space<vmem>>, vector<1024x384xf32>,
    } else {
    }
    %get3A_1030 = arith.constant 0 : index
    %get3A_1031 = arith.constant 0 : index
    %get3A_1032 = vector.load %arg11[%get3A_1030, %get3A_1031] : memref<1x1xf32, #tpu.memory_space<vmem>>, vector<1x1xf32>
    %reshape3A_1033 = vector.broadcast %sub3A_1025 : f32 to vector<1x1xf32>
    %add3A_1034 = arith.addf %get3A_1032, %reshape3A_1033 : vector<1x1xf32>
    %swap3A_1035 = arith.constant 0 : index
    %swap3A_1036 = arith.constant 0 : index
    %swap3A_1037 = vector.load %arg11[%swap3A_1035, %swap3A_1036] : memref<1x1xf32, #tpu.memory_space<vmem>>, vector<1x1xf32>
    tpu.vector_store %arg11[%swap3A_1035, %swap3A_1036], %add3A_1034 {strides = array<i32>} : memref<1x1xf32, #tpu.memory_space<vmem>>, vector<1x1xf32>,
    %eq3A_1038 = arith.constant 3 : i32
    %eq3A_1039 = arith.cmpi eq, %arg0, %eq3A_1038 : i32
    %convert_element_type3A_1040 = arith.extui %eq3A_1039 : i1 to i32
    %cond3A_1041 = arith.constant 0 : i32
    %cond3A_1042 = arith.cmpi ne, %convert_element_type3A_1040, %cond3A_1041 : i32
    scf.if %cond3A_1042 {
      %get3A_1043 = arith.constant 0 : index
      %get3A_1044 = arith.constant 0 : index
      %get3A_1045 = vector.load %arg11[%get3A_1043, %get3A_1044] : memref<1x1xf32, #tpu.memory_space<vmem>>, vector<1x1xf32>
      %mul3A_1046 = arith.constant 2.38418579E-6 : f32
      %mul3A_1047 = vector.broadcast %mul3A_1046 : f32 to vector<1x1xf32>
      %mul3A_1048 = arith.mulf %get3A_1045, %mul3A_1047 : vector<1x1xf32>
      %swap3A_1049 = arith.constant 0 : index
      %swap3A_1050 = arith.constant 0 : index
      %swap3A_1051 = vector.load %arg11[%swap3A_1049, %swap3A_1050] : memref<1x1xf32, #tpu.memory_space<vmem>>, vector<1x1xf32>
      tpu.vector_store %arg11[%swap3A_1049, %swap3A_1050], %mul3A_1048 {strides = array<i32>} : memref<1x1xf32, #tpu.memory_space<vmem>>, vector<1x1xf32>,
    } else {
    }
    return
  }
  func.func @transform_0(%arg0: i32) -> (i32, i32) {
    %c0_i32 = arith.constant 0 : i32
    %c0_i32_0 = arith.constant 0 : i32
    return %arg0, %c0_i32 : i32, i32
  }
  func.func @transform_1(%arg0: i32) -> (i32, i32) {
    %c0_i32 = arith.constant 0 : i32
    %c0_i32_0 = arith.constant 0 : i32
    %c0_i32_1 = arith.constant 0 : i32
    return %c0_i32, %c0_i32_0 : i32, i32
  }
  func.func @transform_2(%arg0: i32) -> (i32, i32) {
    %c0_i32 = arith.constant 0 : i32
    %c0_i32_0 = arith.constant 0 : i32
    %c0_i32_1 = arith.constant 0 : i32
    return %c0_i32, %c0_i32_0 : i32, i32
  }
  func.func @transform_3(%arg0: i32) -> (i32, i32) {
    %c0_i32 = arith.constant 0 : i32
    %c0_i32_0 = arith.constant 0 : i32
    %c0_i32_1 = arith.constant 0 : i32
    return %c0_i32, %c0_i32_0 : i32, i32
  }
  func.func @transform_4(%arg0: i32) -> (i32, i32) {
    %c0_i32 = arith.constant 0 : i32
    %c0_i32_0 = arith.constant 0 : i32
    %c0_i32_1 = arith.constant 0 : i32
    return %c0_i32, %c0_i32_0 : i32, i32
  }
  func.func @transform_5(%arg0: i32) -> (i32, i32) {
    %c0_i32 = arith.constant 0 : i32
    %c0_i32_0 = arith.constant 0 : i32
    %c0_i32_1 = arith.constant 0 : i32
    return %c0_i32, %c0_i32_0 : i32, i32
  }
  func.func @transform_6(%arg0: i32) -> (i32, i32) {
    %c0_i32 = arith.constant 0 : i32
    %c0_i32_0 = arith.constant 0 : i32
    %c0_i32_1 = arith.constant 0 : i32
    return %c0_i32, %c0_i32_0 : i32, i32
  }
  func.func @transform_7(%arg0: i32) -> (i32, i32) {
    %c0_i32 = arith.constant 0 : i32
    %c0_i32_0 = arith.constant 0 : i32
    %c0_i32_1 = arith.constant 0 : i32
    return %c0_i32, %c0_i32_0 : i32, i32
  }
  func.func @transform_8(%arg0: i32) -> (i32, i32, i32) {
    %c0_i32 = arith.constant 0 : i32
    %c0_i32_0 = arith.constant 0 : i32
    %c0_i32_1 = arith.constant 0 : i32
    return %arg0, %c0_i32, %c0_i32_0 : i32, i32, i32
  }
  func.func @transform_9(%arg0: i32) -> (i32, i32) {
    %c0_i32 = arith.constant 0 : i32
    %c0_i32_0 = arith.constant 0 : i32
    %c0_i32_1 = arith.constant 0 : i32
    return %c0_i32, %c0_i32_0 : i32, i32
  }
  func.func @transform_10(%arg0: i32) -> (i32, i32) {
    %c0_i32 = arith.constant 0 : i32
    %c0_i32_0 = arith.constant 0 : i32
    %c0_i32_1 = arith.constant 0 : i32
    return %c0_i32, %c0_i32_0 : i32, i32
  }
}

</mosaic_0001>

<sc_bundles>
// kernel: kernel.4.cloned.1.call-start
scs
__scs_entry_jumppad:
0x0: {  	(pc) =	sbr.rel $0x88, $3  }
0x1: {  	(tag) =	ssettag $0x0;
	lr =	simm.s32 $0x1  }
0x2: {  	[smem:$0x3F99] =	sst lr;
	_ =	strace $0xD0000000  }
0x3: {  	_ = 	snop  }
0x4: {  	_ = 	snop  }
0x5: {  	_ = 	snop  }
0x6: {  	_ = 	snop  }
0x7: {  	_ = 	snop  }
__scs_overlays_trampoline_lowered:
0x8: {  	[smem:$0x3FA8] =	sst s0  }
0x9: {  	[smem:$0x3FA9] =	sst s1  }
0xa: {  	[smem:$0x3FAA] =	sst s2  }
0xb: {  	[smem:$0x3FAB] =	sst s3  }
0xc: {  	[smem:$0x3FAC] =	sst s4  }
0xd: {  	[smem:$0x3FAD] =	sst s5  }
0xe: {  	[smem:$0x3FAE] =	sst s6  }
0xf: {  	[smem:$0x3FAF] =	sst s7  }
0x10: {  	[smem:$0x3FB0] =	sst s8  }
0x11: {  	[smem:$0x3FB1] =	sst s9;
	s0 =	simm.s32 @!p0 $0x0  }
0x12: {  	s1 =	sld [smem:$0x3F97];
	s0 =	simm.s32 @p0 $0x1  }
0x13: {  	[smem:$0x3FB2] =	sst s0;
	s0 =	simm.s32 @!p1 $0x0  }
0x14: {  	s2 =	sld [smem:$0x3F96];
	s0 =	simm.s32 @p1 $0x1  }
0x15: {  	[smem:$0x3FB3] =	sst s0;
	s0 =	simm.s32 @!p2 $0x0  }
0x16: {  	s3 =	sld [smem:$0x3FDB];
	s0 =	simm.s32 @p2 $0x1  }
0x17: {  	s4 =	simm.s32 $0x1BF5;
	[smem:$0x3FB5] =	sst s0  }
0x18: {  	s0 =	sld [smem:$0x3F98];
	_ =	swait.ge [sflag:s4], $0x0  }
0x19: {  	s7 =	sld [smem:$0x3F99]  }
0x1a: {  	s8 =	sadd.s32 $0xFFFFE003, lr  }
0x1b: {  	s9 =	sadd.s32 $0xFFFFFEF7, lr;
	s5 =	simm.s32 $0xFFFFFFFF;
	p2 =	slt.u32 s8, $0xFFFFF086  }
0x1c: {  	p1 =	slt.u32 s9, $0xF7A;
	s5 =	simm.s32 @!p2 $0x0  }
0x1d: {  	s5 =	simm.s32 @p1 $0x1;
	p0 =	seq.s32 s7, s2  }
0x1e: {  	s7 =	smul.u32 @!p0 $0xF7A, s2;
	p2 =	seq.s32 @!p0 s5, $0x0  }
0x1f: {  	s9 =	smul.u32 $0xF7A, s1;
	s8 =	simm.s32 @!p0 $0x1BF5;
	p2 =	por !p2, p0  }
0x20: {  	[sflag:s8] =	ssyncset.s32 @!p0 $0xFFFFF086;
	s6 =	sadd.s32 @!p0 s3, s7;
	s7 =	simm.s32 @!p0 $0x108  }
0x21: {  	s3 =	sadd.s32 s3, s9;
	s6 =	sadd.s32 @!p0 $0x88, s6;
	s7 =	simm.s32 @p2 $0x1082  }
0x22: {  	[simem:s7], [sflag:s8] =	dma.local @!p0 [hbm:s6], $0xF7A  }
0x23: {  	s9 =	sor.u32 $0xD0000000, s2;
	s6 =	simm.s32 $0x108;
	_ =	swait.ge @!p0 [sflag:s8], $0x0  }
0x24: {  	s3 =	sadd.s32 $0x88, s3;
	s6 =	simm.s32 @!p1 $0x1082;
	[sflag:s4] =	ssyncset.s32 $0xFFFFF086  }
0x25: {  	[simem:s6], [sflag:s4] =	dma.local [hbm:s3], $0xF7A  }
0x26: {  	[smem:$0x3F99] =	sst s1;
	(tag) =	ssettag s2;
	_ =	strace s9  }
0x27: {  	s1 =	sld [smem:$0x3FA9]  }
0x28: {  	s2 =	sld [smem:$0x3FAA]  }
0x29: {  	s4 =	sld [smem:$0x3FAC]  }
0x2a: {  	p0 =	seq.s32 s5, $0x0;
	s5 =	sld [smem:$0x3FAD]  }
0x2b: {  	s6 =	sld [smem:$0x3FAE]  }
0x2c: {  	s7 =	sld [smem:$0x3FAF]  }
0x2d: {  	s3 =	simm.s32 $0x108;
	s8 =	sld [smem:$0x3FB0]  }
0x2e: {  	s3 =	simm.s32 @!p0 $0x1082;
	s9 =	sld [smem:$0x3FB1]  }
0x2f: {  	lr =	sadd.s32 s0, s3;
	s0 =	sld [smem:$0x3FA8]  }
0x30: {  	s3 =	sld [smem:$0x3FAB]  }
0x31: {  	[smem:$0x3FB4] =	sst s10  }
0x32: {  	s10 =	sld [smem:$0x3FB2];
	_ =	sdelay $0x3  }
0x33: {  	p0 =	seq.s32 s10, $0x1;
	s10 =	sld [smem:$0x3FB4];
	_ =	sdelay $0x3  }
0x34: {  	[smem:$0x3FB4] =	sst s10  }
0x35: {  	s10 =	sld [smem:$0x3FB3];
	_ =	sdelay $0x3  }
0x36: {  	p1 =	seq.s32 s10, $0x1;
	s10 =	sld [smem:$0x3FB4];
	_ =	sdelay $0x3  }
0x37: {  	[smem:$0x3FB4] =	sst s10  }
0x38: {  	s10 =	sld [smem:$0x3FB5]  }
0x39: {  	_ = 	snop;
	(pc) =	sbr.ind lr, $3  }
0x3a: {  	_ = 	snop  }
0x3b: {  	_ = 	snop  }
0x3c: {  	p2 =	seq.s32 s10, $0x1;
	s10 =	sld [smem:$0x3FB4]  }
0x3d: {  	_ =	shalt  }
0x3e: {  	_ =	shalt  }
0x3f: {  	_ =	shalt  }
0x40: {  	_ =	shalt  }
0x41: {  	_ =	shalt  }
0x42: {  	_ =	shalt  }
0x43: {  	_ =	shalt  }
0x44: {  	_ =	shalt  }
0x45: {  	_ =	shalt  }
0x46: {  	_ =	shalt  }
0x47: {  	_ =	shalt  }
0x48: {  	_ =	shalt  }
0x49: {  	_ =	shalt  }
0x4a: {  	_ =	shalt  }
0x4b: {  	_ =	shalt  }
0x4c: {  	_ =	shalt  }
0x4d: {  	_ =	shalt  }
0x4e: {  	_ =	shalt  }
0x4f: {  	_ =	shalt  }
0x50: {  	_ =	shalt  }
0x51: {  	_ =	shalt  }
0x52: {  	_ =	shalt  }
0x53: {  	_ =	shalt  }
0x54: {  	_ =	shalt  }
0x55: {  	_ =	shalt  }
0x56: {  	_ =	shalt  }
0x57: {  	_ =	shalt  }
0x58: {  	_ =	shalt  }
0x59: {  	_ =	shalt  }
0x5a: {  	_ =	shalt  }
0x5b: {  	_ =	shalt  }
0x5c: {  	_ =	shalt  }
0x5d: {  	_ =	shalt  }
0x5e: {  	_ =	shalt  }
0x5f: {  	_ =	shalt  }
0x60: {  	_ =	shalt  }
0x61: {  	_ =	shalt  }
0x62: {  	_ =	shalt  }
0x63: {  	_ =	shalt  }
0x64: {  	_ =	shalt  }
0x65: {  	_ =	shalt  }
0x66: {  	_ =	shalt  }
0x67: {  	_ =	shalt  }
0x68: {  	_ =	shalt  }
0x69: {  	_ =	shalt  }
0x6a: {  	_ =	shalt  }
0x6b: {  	_ =	shalt  }
0x6c: {  	_ =	shalt  }
0x6d: {  	_ =	shalt  }
0x6e: {  	_ =	shalt  }
0x6f: {  	_ =	shalt  }
0x70: {  	_ =	shalt  }
0x71: {  	_ =	shalt  }
0x72: {  	_ =	shalt  }
0x73: {  	_ =	shalt  }
0x74: {  	_ =	shalt  }
0x75: {  	_ =	shalt  }
0x76: {  	_ =	shalt  }
0x77: {  	_ =	shalt  }
0x78: {  	_ =	shalt  }
0x79: {  	_ =	shalt  }
0x7a: {  	_ =	shalt  }
0x7b: {  	_ =	shalt  }
0x7c: {  	_ =	shalt  }
0x7d: {  	_ =	shalt  }
0x7e: {  	_ =	shalt  }
0x7f: {  	_ =	shalt  }
0x80: {  	_ =	shalt  }
0x81: {  	_ =	shalt  }
0x82: {  	_ =	shalt  }
0x83: {  	_ =	shalt  }
0x84: {  	_ =	shalt  }
0x85: {  	_ =	shalt  }
0x86: {  	_ =	shalt  }
0x87: {  	_ =	shalt  }
.Lfunc_end0:
.L_simem_size_0:
called_computation_lowered:
.L_overlay_start_0:
0x88: {  	s2 =	sld [smem:$0x3FD9]  }
0x89: {  	s3 =	sld [smem:$0x3FFE];
	_ =	sdelay $0x1  }
0x8a: {  	s1 =	srdreg.scid  }
0x8b: {  	s0 =	sand.u32 $0x1, s1  }
0x8c: {  	s14 =	sshll.u32 s0, $0xA;
	s2 =	sadd.s32 s3, s2  }
0x8d: {  	s2 =	sadd.s32 s2, s14  }
0x8e: {  	[smem:$0x3FC0] =	sst s2  }
0x8f: {  	_ = 	snop  }
0x90: {  	s2 =	sld [smem:$0x3FD0];
	_ =	sdelay $0x2  }
0x91: {  	s15 =	simm.s32 $0xA;
	s4 =	simm.s32 $0x10  }
0x92: {  	[smem:s4], [sflag:s15] =	dma.local [hbm:s2], $0x1  }
0x93: {  	_ =	swait.eq [sflag:s15], $0x1  }
0x94: {  	[sflag:s15] =	ssyncset.done $0x0  }
0x95: {  	[sflag:s15] =	ssyncadd.s32 $0xFFFFFFFF  }
0x96: {  	s16 =	sld [smem:$0x10];
	(tm) =	ssettm $0x1  }
0x97: {  	s17 =	sld [smem:$0x3FFB];
	_ =	sdelay $0x3  }
0x98: {  	_ =	strace s17  }
0x99: {  	s3 =	sld [smem:$0x3FFC];
	_ =	sdelay $0x3  }
0x9a: {  	_ =	strace s3  }
0x9b: {  	s3 =	sld [smem:$0x3FFD];
	_ =	sdelay $0x3  }
0x9c: {  	_ =	strace s3  }
0x9d: {  	_ =	strace $0x8FFFFFFF  }
0x9e: {  	s18 =	sld [smem:$0x3FDB];
	_ =	sdelay $0x1  }
0x9f: {  	s19 =	simm.s32 $_scs_section_size  }
0xa0: {  	s5 =	simm.s32 $_size__tile_overlayer_lowered;
	s6 =	simm.s32 $_tile_overlayer_lowered  }
0xa1: {  	s22 =	simm.s32 $0x1BFF;
	s21 =	sshll.u32 s6, $0x1;
	s3 =	sadd.s32 s19, s18  }
0xa2: {  	s7 =	simm.s32 $0x0;
	s20 =	sshll.u32 s5, $0x1;
	s5 =	sadd.s32 s21, s3  }
0xa3: {  	[timem:s7], [sflag:s22] =	dma.local [hbm:s5], s20  }
0xa4: {  	_ =	swait.ge [sflag:s22], s20  }
0xa5: {  	s4 =	ssub.s32 $0x0, s20;
	[sflag:s22] =	ssyncset.done $0x0  }
0xa6: {  	[sflag:s22] =	ssyncadd.s32 s4;
	_ =	sdelay $0x1  }
0xa7: {  	s23 =	simm.s32 $0x1B8B  }
0xa8: {  	_ =	swait.ge [sflag:s23], $0x1  }
0xa9: {  	[sflag:s23] =	ssyncset.done $0x0  }
0xaa: {  	s25 =	simm.s32 $0x1B8E;
	s24 =	sld [smem:$0x3FFE];
	[sflag:s23] =	ssyncadd.s32 $0xFFFFFFFF  }
0xab: {  	s26 =	simm.s32 $execute0_lowered;
	[smem:$0x3FD2] =	sst s25  }
0xac: {  	s5 =	sshll.u32 s26, $0x1;
	_ =	strace $0x80000046;
	[dreg:$0x1] =	wrdreg $0xFFFFFFFF  }
0xad: {  	s28 =	simm.s32 $_size_execute0_lowered;
	s3 =	sadd.s32 s3, s5;
	[dreg:$0x0] =	wrdreg $0x0  }
0xae: {  	s5 =	sshll.u32 s28, $0x1;
	[dreg:$0x2] =	wrdreg s3  }
0xaf: {  	[dreg:$0x3] =	wrdreg s5  }
0xb0: {  	[dreg:$0x4] =	wrdreg $0xC0  }
0xb1: {  	_ =	task [dreg:s7], $0x5FFFF  }
0xb2: {  	[dreg:$0x1] =	wrdreg $0xFFFFFFFF  }
0xb3: {  	[dreg:$0x0] =	wrdreg $0x60  }
0xb4: {  	[dreg:$0x2] =	wrdreg s24  }
0xb5: {  	[dreg:$0x3] =	wrdreg s16  }
0xb6: {  	[dreg:$0x4] =	wrdreg $0x9  }
0xb7: {  	_ =	task.clear_ibuf [dreg:s7], $0x5FFFF;
	_ =	strace $0x90000046  }
0xb8: {  	s29 =	simm.s32 $0x9;
	_ =	strace $0x80000048  }
0xb9: {  	_ =	swait.ge [sflag:s29], $0x1  }
0xba: {  	[sflag:s29] =	ssyncadd.s32 $0xFFFFFFFF  }
0xbb: {  	_ =	strace $0x90000048  }
0xbc: {  	_ =	sfence  }
0xbd: {  	s30 =	sld [smem:$0x0];
	_ =	sdelay $0x2  }
0xbe: {  	s31 =	sshll.u32 s1, $0xD;
	s1 =	sshrl.u32 s1, $0x2  }
0xbf: {  	s3 =	sand.u32 $0x4000, s31;
	s1 =	sadd.s32 s1, s30  }
0xc0: {  	s0 =	sor.u32 s3, s0;
	s1 =	sshll.u32 s1, $0x11  }
0xc1: {  	s0 =	sor.u32 s1, s0  }
0xc2: {  	s0 =	sadd.s32 $0x8F2B, s0  }
0xc3: {  	[sflag:s0] =	ssyncadd.remote.s32 $0x1  }
0xc4: {  	_ =	sfence.sel $0xFFFF  }
0xc5: {  	[dreg:$0x0] =	wrdreg $0xFFFFFFFF;
	(pc) =	sbr.abs _section_cstart, $3  }
0xc6: {  	[dreg:$0x1] =	wrdreg $0xFFFFFFFF  }
0xc7: {  	_ =	task.clear_ibuf [dreg:s7], $0x2FFFF;
	_ =	strace $0x9FFFFFFF  }
0xc8: {  	(tm) =	ssettm $0x7FFFFFFF  }
0xc9: {  	_ =	shalt  }
tec
execute0_lowered:
.L_overlay_start_1:
0x0: {  	(tag) =	ssettag $0x1  }
0x1: {  	s0 =	srdreg.scid  }
0x2: {  	s1 =	rddreg [dreg:$0x0];
	s2 =	stileid.u32  }
0x3: {  	s4 =	rddreg [dreg:$0x1];
	s16 =	simm.s32 $0x1;
	s28 =	simm.s32 $0xE00  }
0x4: {  	s29 =	simm.s32 $0x1600;
	s30 =	simm.s32 $0x1A00;
	s31 =	simm.s32 $0x2200  }
0x5: {  	s9 =	simm.s32 $0x3200;
	s10 =	simm.s32 $0x3A00;
	s11 =	simm.s32 $0x3E00  }
0x6: {  	s12 =	simm.s32 $0x4600;
	s13 =	simm.s32 $0x4A00;
	s14 =	simm.s32 $0x5200  }
0x7: {  	s15 =	simm.s32 $0x5600;
	s18 =	simm.s32 $0x5E00;
	s19 =	simm.s32 $0x6A00  }
0x8: {  	s20 =	simm.s32 $0x6E00;
	s21 =	simm.s32 $0x7600;
	s0 =	sand.u32 $0x1, s0  }
0x9: {  	s22 =	simm.s32 $0x7A00;
	s3 =	sshll.u32 s2, $0x7;
	s5 =	sshll.u32 s0, $0x6  }
0xa: {  	s17 =	simm.s32 $0x9200;
	s2 =	simm.s32 $0x0;
	s5 =	sor.u32 s5, s3  }
0xb: {  	[smem:$0x7FF] =	sst s2;
	s0 =	ssub.s32 $0x2, s0;
	s6 =	smul.u32 $0x180, s5  }
0xc: {  	_ =	strace $0x80000047;
	s25 =	sshrl.u32 s0, $0x1;
	s7 =	smul.u32 $0xC00, s5  }
0xd: {  	s3 =	sadd.s32 $0xC00, s1;
	s5 =	sadd.s32 s5, s1;
	s0 =	ssub.s32 s0, s25  }
0xe: {  	s5 =	sadd.s32 $0xCC00, s5;
	s8 =	sadd.s32 s4, s6;
	s23 =	sshrl.u32 s7, $0x3  }
0xf: {  	[dreg:$0x3] =	wrdreg s5;
	s5 =	sadd.s32 $0xD00, s1;
	s6 =	smax.u32 s0, $0x1  }
0x10: {  	s7 =	simm.s32 $0x2;
	s1 =	simm.s32 $0xC200;
	[dreg:$0x7] =	wrdreg s8  }
0x11: {  	s24 =	sadd.s32 $0x1800, s8;
	s4 =	sadd.s32 s4, s23;
	s23 =	simm.s32 $0x8200  }
0x12: {  	v2 =	vlaneseq.u32;
	s8 =	simm.s32 $0x8E00;
	[dreg:$0x4] =	wrdreg s24;
	s26 =	sadd.s32 $0x3000, s4  }
0x13: {  	vm0 =	vmmov $0xffff;
	vm1 =	vmmov $0xff;
	v1 =	vshrl.u32 v2, $0x3;
	s4 =	sadd.s32 $0x4800, s4;
	s24 =	simm.s32 $0x8600;
	[dreg:$0x5] =	wrdreg s26  }
0x14: {  	v0 =	vand.u32 $0x7, v2;
	v2 =	vor.u32 $0x8, v2;
	v1 =	vmul.u32 $0x8, v1;
	[dreg:$0x6] =	wrdreg s4;
	s26 =	simm.s32 $0xA00;
	s4 =	simm.s32 $0x6200  }
.LBB2_1:
0x15: {  	s25 =	rddreg [dreg:$0x3]  }
0x16: {  	[tilespmem:s2], [sflag:$0x2] =	stream.linear.gather [hbm4b:s25+s2], $0x200, $0x38;
	[tilespmem:$0x18200] =	vst v63  }
0x17: {  	_ =	swait.ge [sflag:s7], $0x200  }
0x18: {  	[sflag:s7] =	ssyncset.done $0x0  }
0x19: {  	[sflag:s7] =	ssyncadd.s32 $0xFFFFFE00  }
0x1a: {  	v3 =	vld [tilespmem:$0x0];
	_ =	sdelay $0x4  }
0x1b: {  	v4 =	vshrl.u32 v3, $0x3  }
0x1c: {  	v4 =	vmul.u32 $0x18, v4  }
0x1d: {  	v3 =	vand.u32 $0x7, v3  }
0x1e: {  	v3 =	vor.u32 v3, v4  }
0x1f: {  	v4 =	vperm.xlane v3, v0;
	_ =	sdelay $0x1  }
0x20: {  	v4 =	vadd.s32 v1, v4;
	_ =	sdelay $0x1  }
0x21: {  	v3 =	vperm.xlane v3, v2;
	_ =	sdelay $0x1  }
0x22: {  	s0 =	simm.s32 $0x200;
	v3 =	vadd.s32 v1, v3  }
0x23: {  	[tilespmem:s0], [sflag:$0x1] =	stream.indirect_vreg.gather [hbm4b:s3+s2], $0x80, v4, vm0, $0xb8;
	[tilespmem:$0x18200] =	vst v63  }
0x24: {  	_ = 	snop  }
0x25: {  	[tilespmem:s26], [sflag:$0x1] =	stream.indirect_vreg.gather [hbm4b:s5+s2], $0x80, v4, vm1, $0xb8;
	[tilespmem:$0x18200] =	vst v63  }
0x26: {  	_ = 	snop  }
0x27: {  	[tilespmem:s28], [sflag:$0x1] =	stream.indirect_vreg.gather [hbm4b:s3+s2], $0x80, v3, vm0, $0xb8;
	[tilespmem:$0x18200] =	vst v63  }
0x28: {  	_ = 	snop  }
0x29: {  	[tilespmem:s29], [sflag:$0x1] =	stream.indirect_vreg.gather [hbm4b:s5+s2], $0x80, v3, vm1, $0xb8;
	[tilespmem:$0x18200] =	vst v63  }
0x2a: {  	v3 =	vld [tilespmem:$0x10];
	_ =	sdelay $0x4  }
0x2b: {  	v33 =	vshrl.u32 v3, $0x3  }
0x2c: {  	v4 =	vmul.u32 $0x18, v33  }
0x2d: {  	v3 =	vand.u32 $0x7, v3  }
0x2e: {  	v3 =	vor.u32 v3, v4  }
0x2f: {  	v4 =	vperm.xlane v3, v0;
	_ =	sdelay $0x1  }
0x30: {  	v4 =	vadd.s32 v1, v4;
	_ =	sdelay $0x1  }
0x31: {  	v3 =	vperm.xlane v3, v2;
	_ =	sdelay $0x1  }
0x32: {  	v3 =	vadd.s32 v1, v3  }
0x33: {  	[tilespmem:s30], [sflag:$0x1] =	stream.indirect_vreg.gather [hbm4b:s3+s2], $0x80, v4, vm0, $0xb8;
	[tilespmem:$0x18200] =	vst v63  }
0x34: {  	_ = 	snop  }
0x35: {  	[tilespmem:s31], [sflag:$0x1] =	stream.indirect_vreg.gather [hbm4b:s5+s2], $0x80, v4, vm1, $0xb8;
	[tilespmem:$0x18200] =	vst v63  }
0x36: {  	s25 =	simm.s32 $0x2600  }
0x37: {  	[tilespmem:s25], [sflag:$0x1] =	stream.indirect_vreg.gather [hbm4b:s3+s2], $0x80, v3, vm0, $0xb8;
	[tilespmem:$0x18200] =	vst v63  }
0x38: {  	s25 =	simm.s32 $0x2E00  }
0x39: {  	[tilespmem:s25], [sflag:$0x1] =	stream.indirect_vreg.gather [hbm4b:s5+s2], $0x80, v3, vm1, $0xb8;
	[tilespmem:$0x18200] =	vst v63  }
0x3a: {  	v3 =	vld [tilespmem:$0x20];
	_ =	sdelay $0x4  }
0x3b: {  	v34 =	vshrl.u32 v3, $0x3  }
0x3c: {  	v4 =	vmul.u32 $0x18, v34  }
0x3d: {  	v3 =	vand.u32 $0x7, v3  }
0x3e: {  	v3 =	vor.u32 v3, v4  }
0x3f: {  	v4 =	vperm.xlane v3, v0;
	_ =	sdelay $0x1  }
0x40: {  	v4 =	vadd.s32 v1, v4;
	_ =	sdelay $0x1  }
0x41: {  	v3 =	vperm.xlane v3, v2;
	_ =	sdelay $0x1  }
0x42: {  	v3 =	vadd.s32 v1, v3  }
0x43: {  	[tilespmem:s9], [sflag:$0x1] =	stream.indirect_vreg.gather [hbm4b:s3+s2], $0x80, v4, vm0, $0xb8;
	[tilespmem:$0x18200] =	vst v63  }
0x44: {  	_ = 	snop  }
0x45: {  	[tilespmem:s10], [sflag:$0x1] =	stream.indirect_vreg.gather [hbm4b:s5+s2], $0x80, v4, vm1, $0xb8;
	[tilespmem:$0x18200] =	vst v63  }
0x46: {  	_ = 	snop  }
0x47: {  	[tilespmem:s11], [sflag:$0x1] =	stream.indirect_vreg.gather [hbm4b:s3+s2], $0x80, v3, vm0, $0xb8;
	[tilespmem:$0x18200] =	vst v63  }
0x48: {  	_ = 	snop  }
0x49: {  	[tilespmem:s12], [sflag:$0x1] =	stream.indirect_vreg.gather [hbm4b:s5+s2], $0x80, v3, vm1, $0xb8;
	[tilespmem:$0x18200] =	vst v63  }
0x4a: {  	v3 =	vld [tilespmem:$0x30];
	_ =	sdelay $0x4  }
0x4b: {  	v35 =	vshrl.u32 v3, $0x3  }
0x4c: {  	v4 =	vmul.u32 $0x18, v35  }
0x4d: {  	v3 =	vand.u32 $0x7, v3  }
0x4e: {  	v3 =	vor.u32 v3, v4  }
0x4f: {  	v4 =	vperm.xlane v3, v0;
	_ =	sdelay $0x1  }
0x50: {  	v4 =	vadd.s32 v1, v4;
	_ =	sdelay $0x1  }
0x51: {  	v3 =	vperm.xlane v3, v2;
	_ =	sdelay $0x1  }
0x52: {  	v3 =	vadd.s32 v1, v3  }
0x53: {  	[tilespmem:s13], [sflag:$0x1] =	stream.indirect_vreg.gather [hbm4b:s3+s2], $0x80, v4, vm0, $0xb8;
	[tilespmem:$0x18200] =	vst v63  }
0x54: {  	_ = 	snop  }
0x55: {  	[tilespmem:s14], [sflag:$0x1] =	stream.indirect_vreg.gather [hbm4b:s5+s2], $0x80, v4, vm1, $0xb8;
	[tilespmem:$0x18200] =	vst v63  }
0x56: {  	_ = 	snop  }
0x57: {  	[tilespmem:s15], [sflag:$0x1] =	stream.indirect_vreg.gather [hbm4b:s3+s2], $0x80, v3, vm0, $0xb8;
	[tilespmem:$0x18200] =	vst v63  }
0x58: {  	_ = 	snop  }
0x59: {  	[tilespmem:s18], [sflag:$0x1] =	stream.indirect_vreg.gather [hbm4b:s5+s2], $0x80, v3, vm1, $0xb8;
	[tilespmem:$0x18200] =	vst v63  }
0x5a: {  	v3 =	vld [tilespmem:$0x40];
	_ =	sdelay $0x4  }
0x5b: {  	v36 =	vshrl.u32 v3, $0x3  }
0x5c: {  	v4 =	vmul.u32 $0x18, v36  }
0x5d: {  	v3 =	vand.u32 $0x7, v3  }
0x5e: {  	v3 =	vor.u32 v3, v4  }
0x5f: {  	v4 =	vperm.xlane v3, v0;
	_ =	sdelay $0x1  }
0x60: {  	v4 =	vadd.s32 v1, v4;
	_ =	sdelay $0x1  }
0x61: {  	v3 =	vperm.xlane v3, v2;
	_ =	sdelay $0x1  }
0x62: {  	v3 =	vadd.s32 v1, v3  }
0x63: {  	[tilespmem:s4], [sflag:$0x1] =	stream.indirect_vreg.gather [hbm4b:s3+s2], $0x80, v4, vm0, $0xb8;
	[tilespmem:$0x18200] =	vst v63  }
0x64: {  	_ = 	snop  }
0x65: {  	[tilespmem:s19], [sflag:$0x1] =	stream.indirect_vreg.gather [hbm4b:s5+s2], $0x80, v4, vm1, $0xb8;
	[tilespmem:$0x18200] =	vst v63  }
0x66: {  	_ = 	snop  }
0x67: {  	[tilespmem:s20], [sflag:$0x1] =	stream.indirect_vreg.gather [hbm4b:s3+s2], $0x80, v3, vm0, $0xb8;
	[tilespmem:$0x18200] =	vst v63  }
0x68: {  	_ = 	snop  }
0x69: {  	[tilespmem:s21], [sflag:$0x1] =	stream.indirect_vreg.gather [hbm4b:s5+s2], $0x80, v3, vm1, $0xb8;
	[tilespmem:$0x18200] =	vst v63  }
0x6a: {  	v3 =	vld [tilespmem:$0x50];
	_ =	sdelay $0x4  }
0x6b: {  	v37 =	vshrl.u32 v3, $0x3  }
0x6c: {  	v4 =	vmul.u32 $0x18, v37  }
0x6d: {  	v3 =	vand.u32 $0x7, v3  }
0x6e: {  	v3 =	vor.u32 v3, v4  }
0x6f: {  	v4 =	vperm.xlane v3, v0;
	_ =	sdelay $0x1  }
0x70: {  	v4 =	vadd.s32 v1, v4;
	_ =	sdelay $0x1  }
0x71: {  	v3 =	vperm.xlane v3, v2;
	_ =	sdelay $0x1  }
0x72: {  	v3 =	vadd.s32 v1, v3  }
0x73: {  	[tilespmem:s22], [sflag:$0x1] =	stream.indirect_vreg.gather [hbm4b:s3+s2], $0x80, v4, vm0, $0xb8;
	[tilespmem:$0x18200] =	vst v63  }
0x74: {  	_ = 	snop  }
0x75: {  	[tilespmem:s23], [sflag:$0x1] =	stream.indirect_vreg.gather [hbm4b:s5+s2], $0x80, v4, vm1, $0xb8;
	[tilespmem:$0x18200] =	vst v63  }
0x76: {  	_ = 	snop  }
0x77: {  	[tilespmem:s24], [sflag:$0x1] =	stream.indirect_vreg.gather [hbm4b:s3+s2], $0x80, v3, vm0, $0xb8;
	[tilespmem:$0x18200] =	vst v63  }
0x78: {  	_ = 	snop  }
0x79: {  	[tilespmem:s8], [sflag:$0x1] =	stream.indirect_vreg.gather [hbm4b:s5+s2], $0x80, v3, vm1, $0xb8;
	[tilespmem:$0x18200] =	vst v63  }
0x7a: {  	v3 =	vld [tilespmem:$0x60];
	_ =	sdelay $0x4  }
0x7b: {  	v38 =	vshrl.u32 v3, $0x3  }
0x7c: {  	v4 =	vmul.u32 $0x18, v38  }
0x7d: {  	v3 =	vand.u32 $0x7, v3  }
0x7e: {  	v3 =	vor.u32 v3, v4  }
0x7f: {  	v4 =	vperm.xlane v3, v0;
	_ =	sdelay $0x1  }
0x80: {  	v4 =	vadd.s32 v1, v4;
	_ =	sdelay $0x1  }
0x81: {  	v3 =	vperm.xlane v3, v2;
	_ =	sdelay $0x1  }
0x82: {  	v3 =	vadd.s32 v1, v3  }
0x83: {  	[tilespmem:s17], [sflag:$0x1] =	stream.indirect_vreg.gather [hbm4b:s3+s2], $0x80, v4, vm0, $0xb8;
	[tilespmem:$0x18200] =	vst v63  }
0x84: {  	s25 =	simm.s32 $0x9A00  }
0x85: {  	[tilespmem:s25], [sflag:$0x1] =	stream.indirect_vreg.gather [hbm4b:s5+s2], $0x80, v4, vm1, $0xb8;
	[tilespmem:$0x18200] =	vst v63  }
0x86: {  	s25 =	simm.s32 $0x9E00  }
0x87: {  	[tilespmem:s25], [sflag:$0x1] =	stream.indirect_vreg.gather [hbm4b:s3+s2], $0x80, v3, vm0, $0xb8;
	[tilespmem:$0x18200] =	vst v63  }
0x88: {  	s25 =	simm.s32 $0xA600  }
0x89: {  	[tilespmem:s25], [sflag:$0x1] =	stream.indirect_vreg.gather [hbm4b:s5+s2], $0x80, v3, vm1, $0xb8;
	[tilespmem:$0x18200] =	vst v63  }
0x8a: {  	v3 =	vld [tilespmem:$0x70];
	_ =	sdelay $0x4  }
0x8b: {  	v39 =	vshrl.u32 v3, $0x3  }
0x8c: {  	v4 =	vmul.u32 $0x18, v39  }
0x8d: {  	v3 =	vand.u32 $0x7, v3  }
0x8e: {  	v3 =	vor.u32 v3, v4  }
0x8f: {  	v4 =	vperm.xlane v3, v0;
	_ =	sdelay $0x1  }
0x90: {  	v4 =	vadd.s32 v1, v4;
	_ =	sdelay $0x1  }
0x91: {  	v3 =	vperm.xlane v3, v2;
	_ =	sdelay $0x1  }
0x92: {  	s25 =	simm.s32 $0xAA00;
	v3 =	vadd.s32 v1, v3  }
0x93: {  	[tilespmem:s25], [sflag:$0x1] =	stream.indirect_vreg.gather [hbm4b:s3+s2], $0x80, v4, vm0, $0xb8;
	[tilespmem:$0x18200] =	vst v63  }
0x94: {  	s25 =	simm.s32 $0xB200  }
0x95: {  	[tilespmem:s25], [sflag:$0x1] =	stream.indirect_vreg.gather [hbm4b:s5+s2], $0x80, v4, vm1, $0xb8;
	[tilespmem:$0x18200] =	vst v63  }
0x96: {  	s25 =	simm.s32 $0xB600  }
0x97: {  	[tilespmem:s25], [sflag:$0x1] =	stream.indirect_vreg.gather [hbm4b:s3+s2], $0x80, v3, vm0, $0xb8;
	[tilespmem:$0x18200] =	vst v63  }
0x98: {  	s25 =	simm.s32 $0xBE00  }
0x99: {  	[tilespmem:s25], [sflag:$0x1] =	stream.indirect_vreg.gather [hbm4b:s5+s2], $0x80, v3, vm1, $0xb8;
	[tilespmem:$0x18200] =	vst v63  }
0x9a: {  	_ =	swait.ge [sflag:s16], $0xC000  }
0x9b: {  	[sflag:s16] =	ssyncset.done $0x0  }
0x9c: {  	[sflag:s16] =	ssyncadd.s32 $0xFFFF4000  }
0x9d: {  	v3 =	vld [tilespmem:$0x80];
	_ =	sdelay $0x4  }
0x9e: {  	v40 =	vshrl.u32 v3, $0x3  }
0x9f: {  	v4 =	vmul.u32 $0x18, v40  }
0xa0: {  	v3 =	vand.u32 $0x7, v3  }
0xa1: {  	v3 =	vor.u32 v3, v4  }
0xa2: {  	v4 =	vperm.xlane v3, v0;
	_ =	sdelay $0x1  }
0xa3: {  	v4 =	vadd.s32 v1, v4;
	_ =	sdelay $0x1  }
0xa4: {  	v3 =	vperm.xlane v3, v2;
	_ =	sdelay $0x1  }
0xa5: {  	v3 =	vadd.s32 v1, v3  }
0xa6: {  	[tilespmem:s1], [sflag:$0x1] =	stream.indirect_vreg.gather [hbm4b:s3+s2], $0x80, v4, vm0, $0xb8;
	[tilespmem:$0x18200] =	vst v63  }
0xa7: {  	s25 =	simm.s32 $0xCA00  }
0xa8: {  	[tilespmem:s25], [sflag:$0x1] =	stream.indirect_vreg.gather [hbm4b:s5+s2], $0x80, v4, vm1, $0xb8;
	[tilespmem:$0x18200] =	vst v63  }
0xa9: {  	s25 =	simm.s32 $0xCE00  }
0xaa: {  	[tilespmem:s25], [sflag:$0x1] =	stream.indirect_vreg.gather [hbm4b:s3+s2], $0x80, v3, vm0, $0xb8;
	[tilespmem:$0x18200] =	vst v63  }
0xab: {  	s25 =	simm.s32 $0xD600  }
0xac: {  	[tilespmem:s25], [sflag:$0x1] =	stream.indirect_vreg.gather [hbm4b:s5+s2], $0x80, v3, vm1, $0xb8;
	[tilespmem:$0x18200] =	vst v63  }
0xad: {  	v3 =	vld [tilespmem:$0x90];
	_ =	sdelay $0x4  }
0xae: {  	v41 =	vshrl.u32 v3, $0x3  }
0xaf: {  	v4 =	vmul.u32 $0x18, v41  }
0xb0: {  	v3 =	vand.u32 $0x7, v3  }
0xb1: {  	v3 =	vor.u32 v3, v4  }
0xb2: {  	v4 =	vperm.xlane v3, v0;
	_ =	sdelay $0x1  }
0xb3: {  	v4 =	vadd.s32 v1, v4;
	_ =	sdelay $0x1  }
0xb4: {  	v3 =	vperm.xlane v3, v2;
	_ =	sdelay $0x1  }
0xb5: {  	s25 =	simm.s32 $0xDA00;
	v3 =	vadd.s32 v1, v3  }
0xb6: {  	[tilespmem:s25], [sflag:$0x1] =	stream.indirect_vreg.gather [hbm4b:s3+s2], $0x80, v4, vm0, $0xb8;
	[tilespmem:$0x18200] =	vst v63  }
0xb7: {  	s25 =	simm.s32 $0xE200  }
0xb8: {  	[tilespmem:s25], [sflag:$0x1] =	stream.indirect_vreg.gather [hbm4b:s5+s2], $0x80, v4, vm1, $0xb8;
	[tilespmem:$0x18200] =	vst v63  }
0xb9: {  	s25 =	simm.s32 $0xE600  }
0xba: {  	[tilespmem:s25], [sflag:$0x1] =	stream.indirect_vreg.gather [hbm4b:s3+s2], $0x80, v3, vm0, $0xb8;
	[tilespmem:$0x18200] =	vst v63  }
0xbb: {  	s25 =	simm.s32 $0xEE00  }
0xbc: {  	[tilespmem:s25], [sflag:$0x1] =	stream.indirect_vreg.gather [hbm4b:s5+s2], $0x80, v3, vm1, $0xb8;
	[tilespmem:$0x18200] =	vst v63  }
0xbd: {  	v3 =	vld [tilespmem:$0xA0];
	_ =	sdelay $0x4  }
0xbe: {  	v42 =	vshrl.u32 v3, $0x3  }
0xbf: {  	v4 =	vmul.u32 $0x18, v42  }
0xc0: {  	v3 =	vand.u32 $0x7, v3  }
0xc1: {  	v3 =	vor.u32 v3, v4  }
0xc2: {  	v4 =	vperm.xlane v3, v0;
	_ =	sdelay $0x1  }
0xc3: {  	v4 =	vadd.s32 v1, v4;
	_ =	sdelay $0x1  }
0xc4: {  	v3 =	vperm.xlane v3, v2;
	_ =	sdelay $0x1  }
0xc5: {  	s25 =	simm.s32 $0xF200;
	v3 =	vadd.s32 v1, v3  }
0xc6: {  	[tilespmem:s25], [sflag:$0x1] =	stream.indirect_vreg.gather [hbm4b:s3+s2], $0x80, v4, vm0, $0xb8;
	[tilespmem:$0x18200] =	vst v63  }
0xc7: {  	s25 =	simm.s32 $0xFA00  }
0xc8: {  	[tilespmem:s25], [sflag:$0x1] =	stream.indirect_vreg.gather [hbm4b:s5+s2], $0x80, v4, vm1, $0xb8;
	[tilespmem:$0x18200] =	vst v63  }
0xc9: {  	s25 =	simm.s32 $0xFE00  }
0xca: {  	[tilespmem:s25], [sflag:$0x1] =	stream.indirect_vreg.gather [hbm4b:s3+s2], $0x80, v3, vm0, $0xb8;
	[tilespmem:$0x18200] =	vst v63  }
0xcb: {  	s25 =	simm.s32 $0x10600  }
0xcc: {  	[tilespmem:s25], [sflag:$0x1] =	stream.indirect_vreg.gather [hbm4b:s5+s2], $0x80, v3, vm1, $0xb8;
	[tilespmem:$0x18200] =	vst v63  }
0xcd: {  	v3 =	vld [tilespmem:$0xB0];
	_ =	sdelay $0x4  }
0xce: {  	v43 =	vshrl.u32 v3, $0x3  }
0xcf: {  	v4 =	vmul.u32 $0x18, v43  }
0xd0: {  	v3 =	vand.u32 $0x7, v3  }
0xd1: {  	v3 =	vor.u32 v3, v4  }
0xd2: {  	v4 =	vperm.xlane v3, v0;
	_ =	sdelay $0x1  }
0xd3: {  	v4 =	vadd.s32 v1, v4;
	_ =	sdelay $0x1  }
0xd4: {  	v3 =	vperm.xlane v3, v2;
	_ =	sdelay $0x1  }
0xd5: {  	s25 =	simm.s32 $0x10A00;
	v3 =	vadd.s32 v1, v3  }
0xd6: {  	[tilespmem:s25], [sflag:$0x1] =	stream.indirect_vreg.gather [hbm4b:s3+s2], $0x80, v4, vm0, $0xb8;
	[tilespmem:$0x18200] =	vst v63  }
0xd7: {  	s25 =	simm.s32 $0x11200  }
0xd8: {  	[tilespmem:s25], [sflag:$0x1] =	stream.indirect_vreg.gather [hbm4b:s5+s2], $0x80, v4, vm1, $0xb8;
	[tilespmem:$0x18200] =	vst v63  }
0xd9: {  	s25 =	simm.s32 $0x11600  }
0xda: {  	[tilespmem:s25], [sflag:$0x1] =	stream.indirect_vreg.gather [hbm4b:s3+s2], $0x80, v3, vm0, $0xb8;
	[tilespmem:$0x18200] =	vst v63  }
0xdb: {  	s25 =	simm.s32 $0x11E00  }
0xdc: {  	[tilespmem:s25], [sflag:$0x1] =	stream.indirect_vreg.gather [hbm4b:s5+s2], $0x80, v3, vm1, $0xb8;
	[tilespmem:$0x18200] =	vst v63  }
0xdd: {  	v3 =	vld [tilespmem:$0xC0];
	_ =	sdelay $0x4  }
0xde: {  	v44 =	vshrl.u32 v3, $0x3  }
0xdf: {  	v4 =	vmul.u32 $0x18, v44  }
0xe0: {  	v3 =	vand.u32 $0x7, v3  }
0xe1: {  	v3 =	vor.u32 v3, v4  }
0xe2: {  	v4 =	vperm.xlane v3, v0;
	_ =	sdelay $0x1  }
0xe3: {  	v4 =	vadd.s32 v1, v4;
	_ =	sdelay $0x1  }
0xe4: {  	v3 =	vperm.xlane v3, v2;
	_ =	sdelay $0x1  }
0xe5: {  	s25 =	simm.s32 $0x12200;
	v3 =	vadd.s32 v1, v3  }
0xe6: {  	[tilespmem:s25], [sflag:$0x1] =	stream.indirect_vreg.gather [hbm4b:s3+s2], $0x80, v4, vm0, $0xb8;
	[tilespmem:$0x18200] =	vst v63  }
0xe7: {  	s25 =	simm.s32 $0x12A00  }
0xe8: {  	[tilespmem:s25], [sflag:$0x1] =	stream.indirect_vreg.gather [hbm4b:s5+s2], $0x80, v4, vm1, $0xb8;
	[tilespmem:$0x18200] =	vst v63  }
0xe9: {  	s25 =	simm.s32 $0x12E00  }
0xea: {  	[tilespmem:s25], [sflag:$0x1] =	stream.indirect_vreg.gather [hbm4b:s3+s2], $0x80, v3, vm0, $0xb8;
	[tilespmem:$0x18200] =	vst v63  }
0xeb: {  	s25 =	simm.s32 $0x13600  }
0xec: {  	[tilespmem:s25], [sflag:$0x1] =	stream.indirect_vreg.gather [hbm4b:s5+s2], $0x80, v3, vm1, $0xb8;
	[tilespmem:$0x18200] =	vst v63  }
0xed: {  	v3 =	vld [tilespmem:$0xD0];
	_ =	sdelay $0x4  }
0xee: {  	v45 =	vshrl.u32 v3, $0x3  }
0xef: {  	v4 =	vmul.u32 $0x18, v45  }
0xf0: {  	v3 =	vand.u32 $0x7, v3  }
0xf1: {  	v3 =	vor.u32 v3, v4  }
0xf2: {  	v4 =	vperm.xlane v3, v0;
	_ =	sdelay $0x1  }
0xf3: {  	v4 =	vadd.s32 v1, v4;
	_ =	sdelay $0x1  }
0xf4: {  	v3 =	vperm.xlane v3, v2;
	_ =	sdelay $0x1  }
0xf5: {  	s25 =	simm.s32 $0x13A00;
	v3 =	vadd.s32 v1, v3  }
0xf6: {  	[tilespmem:s25], [sflag:$0x1] =	stream.indirect_vreg.gather [hbm4b:s3+s2], $0x80, v4, vm0, $0xb8;
	[tilespmem:$0x18200] =	vst v63  }
0xf7: {  	s25 =	simm.s32 $0x14200  }
0xf8: {  	[tilespmem:s25], [sflag:$0x1] =	stream.indirect_vreg.gather [hbm4b:s5+s2], $0x80, v4, vm1, $0xb8;
	[tilespmem:$0x18200] =	vst v63  }
0xf9: {  	s25 =	simm.s32 $0x14600  }
0xfa: {  	[tilespmem:s25], [sflag:$0x1] =	stream.indirect_vreg.gather [hbm4b:s3+s2], $0x80, v3, vm0, $0xb8;
	[tilespmem:$0x18200] =	vst v63  }
0xfb: {  	s25 =	simm.s32 $0x14E00  }
0xfc: {  	[tilespmem:s25], [sflag:$0x1] =	stream.indirect_vreg.gather [hbm4b:s5+s2], $0x80, v3, vm1, $0xb8;
	[tilespmem:$0x18200] =	vst v63  }
0xfd: {  	v3 =	vld [tilespmem:$0xE0];
	_ =	sdelay $0x4  }
0xfe: {  	v46 =	vshrl.u32 v3, $0x3  }
0xff: {  	v4 =	vmul.u32 $0x18, v46  }
0x100: {  	v3 =	vand.u32 $0x7, v3  }
0x101: {  	v3 =	vor.u32 v3, v4  }
0x102: {  	v4 =	vperm.xlane v3, v0;
	_ =	sdelay $0x1  }
0x103: {  	v4 =	vadd.s32 v1, v4;
	_ =	sdelay $0x1  }
0x104: {  	v3 =	vperm.xlane v3, v2;
	_ =	sdelay $0x1  }
0x105: {  	s25 =	simm.s32 $0x15200;
	v3 =	vadd.s32 v1, v3  }
0x106: {  	[tilespmem:s25], [sflag:$0x1] =	stream.indirect_vreg.gather [hbm4b:s3+s2], $0x80, v4, vm0, $0xb8;
	[tilespmem:$0x18200] =	vst v63  }
0x107: {  	s25 =	simm.s32 $0x15A00  }
0x108: {  	[tilespmem:s25], [sflag:$0x1] =	stream.indirect_vreg.gather [hbm4b:s5+s2], $0x80, v4, vm1, $0xb8;
	[tilespmem:$0x18200] =	vst v63  }
0x109: {  	s25 =	simm.s32 $0x15E00  }
0x10a: {  	[tilespmem:s25], [sflag:$0x1] =	stream.indirect_vreg.gather [hbm4b:s3+s2], $0x80, v3, vm0, $0xb8;
	[tilespmem:$0x18200] =	vst v63  }
0x10b: {  	s25 =	simm.s32 $0x16600  }
0x10c: {  	[tilespmem:s25], [sflag:$0x1] =	stream.indirect_vreg.gather [hbm4b:s5+s2], $0x80, v3, vm1, $0xb8;
	[tilespmem:$0x18200] =	vst v63  }
0x10d: {  	v3 =	vld [tilespmem:$0xF0];
	_ =	sdelay $0x4  }
0x10e: {  	v47 =	vshrl.u32 v3, $0x3  }
0x10f: {  	v4 =	vmul.u32 $0x18, v47  }
0x110: {  	v3 =	vand.u32 $0x7, v3  }
0x111: {  	v3 =	vor.u32 v3, v4  }
0x112: {  	v4 =	vperm.xlane v3, v0;
	_ =	sdelay $0x1  }
0x113: {  	v4 =	vadd.s32 v1, v4;
	_ =	sdelay $0x1  }
0x114: {  	v3 =	vperm.xlane v3, v2;
	_ =	sdelay $0x1  }
0x115: {  	s25 =	simm.s32 $0x16A00;
	v3 =	vadd.s32 v1, v3  }
0x116: {  	[tilespmem:s25], [sflag:$0x1] =	stream.indirect_vreg.gather [hbm4b:s3+s2], $0x80, v4, vm0, $0xb8;
	[tilespmem:$0x18200] =	vst v63  }
0x117: {  	s25 =	simm.s32 $0x17200  }
0x118: {  	[tilespmem:s25], [sflag:$0x1] =	stream.indirect_vreg.gather [hbm4b:s5+s2], $0x80, v4, vm1, $0xb8;
	[tilespmem:$0x18200] =	vst v63  }
0x119: {  	s25 =	simm.s32 $0x17600  }
0x11a: {  	[tilespmem:s25], [sflag:$0x1] =	stream.indirect_vreg.gather [hbm4b:s3+s2], $0x80, v3, vm0, $0xb8;
	[tilespmem:$0x18200] =	vst v63  }
0x11b: {  	s25 =	simm.s32 $0x17E00  }
0x11c: {  	[tilespmem:s25], [sflag:$0x1] =	stream.indirect_vreg.gather [hbm4b:s5+s2], $0x80, v3, vm1, $0xb8;
	[tilespmem:$0x18200] =	vst v63  }
0x11d: {  	s0 =	simm.s32 $0x200;
	s25 =	rddreg [dreg:$0x7]  }
0x11e: {  	[hbm4b:s25+s2] =	stream.linear.scatter [tilespmem:s0], [sflag:$0x2], $0xC000, $0x38;
	[tilespmem:$0x18200] =	vst v63  }
0x11f: {  	_ =	swait.ge [sflag:s7], $0xC000  }
0x120: {  	[sflag:s7] =	ssyncset.done $0x0  }
0x121: {  	[sflag:s7] =	ssyncadd.s32 $0xFFFF4000  }
0x122: {  	_ =	swait.ge [sflag:s16], $0xC000  }
0x123: {  	[sflag:s16] =	ssyncset.done $0x0  }
0x124: {  	[sflag:s16] =	ssyncadd.s32 $0xFFFF4000  }
0x125: {  	v3 =	vld [tilespmem:$0x100];
	_ =	sdelay $0x4  }
0x126: {  	v48 =	vshrl.u32 v3, $0x3  }
0x127: {  	v4 =	vmul.u32 $0x18, v48  }
0x128: {  	v3 =	vand.u32 $0x7, v3  }
0x129: {  	v3 =	vor.u32 v3, v4  }
0x12a: {  	v4 =	vperm.xlane v3, v0;
	_ =	sdelay $0x1  }
0x12b: {  	v4 =	vadd.s32 v1, v4;
	_ =	sdelay $0x1  }
0x12c: {  	v3 =	vperm.xlane v3, v2;
	_ =	sdelay $0x1  }
0x12d: {  	v3 =	vadd.s32 v1, v3  }
0x12e: {  	[tilespmem:s0], [sflag:$0x1] =	stream.indirect_vreg.gather [hbm4b:s3+s2], $0x80, v4, vm0, $0xb8;
	[tilespmem:$0x18200] =	vst v63  }
0x12f: {  	_ = 	snop  }
0x130: {  	[tilespmem:s26], [sflag:$0x1] =	stream.indirect_vreg.gather [hbm4b:s5+s2], $0x80, v4, vm1, $0xb8;
	[tilespmem:$0x18200] =	vst v63  }
0x131: {  	_ = 	snop  }
0x132: {  	[tilespmem:s28], [sflag:$0x1] =	stream.indirect_vreg.gather [hbm4b:s3+s2], $0x80, v3, vm0, $0xb8;
	[tilespmem:$0x18200] =	vst v63  }
0x133: {  	_ = 	snop  }
0x134: {  	[tilespmem:s29], [sflag:$0x1] =	stream.indirect_vreg.gather [hbm4b:s5+s2], $0x80, v3, vm1, $0xb8;
	[tilespmem:$0x18200] =	vst v63  }
0x135: {  	v3 =	vld [tilespmem:$0x110];
	_ =	sdelay $0x4  }
0x136: {  	v49 =	vshrl.u32 v3, $0x3  }
0x137: {  	v4 =	vmul.u32 $0x18, v49  }
0x138: {  	v3 =	vand.u32 $0x7, v3  }
0x139: {  	v3 =	vor.u32 v3, v4  }
0x13a: {  	v4 =	vperm.xlane v3, v0;
	_ =	sdelay $0x1  }
0x13b: {  	v4 =	vadd.s32 v1, v4;
	_ =	sdelay $0x1  }
0x13c: {  	v3 =	vperm.xlane v3, v2;
	_ =	sdelay $0x1  }
0x13d: {  	v3 =	vadd.s32 v1, v3  }
0x13e: {  	[tilespmem:s30], [sflag:$0x1] =	stream.indirect_vreg.gather [hbm4b:s3+s2], $0x80, v4, vm0, $0xb8;
	[tilespmem:$0x18200] =	vst v63  }
0x13f: {  	_ = 	snop  }
0x140: {  	[tilespmem:s31], [sflag:$0x1] =	stream.indirect_vreg.gather [hbm4b:s5+s2], $0x80, v4, vm1, $0xb8;
	[tilespmem:$0x18200] =	vst v63  }
0x141: {  	s25 =	simm.s32 $0x2600  }
0x142: {  	[tilespmem:s25], [sflag:$0x1] =	stream.indirect_vreg.gather [hbm4b:s3+s2], $0x80, v3, vm0, $0xb8;
	[tilespmem:$0x18200] =	vst v63  }
0x143: {  	s25 =	simm.s32 $0x2E00  }
0x144: {  	[tilespmem:s25], [sflag:$0x1] =	stream.indirect_vreg.gather [hbm4b:s5+s2], $0x80, v3, vm1, $0xb8;
	[tilespmem:$0x18200] =	vst v63  }
0x145: {  	v3 =	vld [tilespmem:$0x120];
	_ =	sdelay $0x4  }
0x146: {  	v50 =	vshrl.u32 v3, $0x3  }
0x147: {  	v4 =	vmul.u32 $0x18, v50  }
0x148: {  	v3 =	vand.u32 $0x7, v3  }
0x149: {  	v3 =	vor.u32 v3, v4  }
0x14a: {  	v4 =	vperm.xlane v3, v0;
	_ =	sdelay $0x1  }
0x14b: {  	v4 =	vadd.s32 v1, v4;
	_ =	sdelay $0x1  }
0x14c: {  	v3 =	vperm.xlane v3, v2;
	_ =	sdelay $0x1  }
0x14d: {  	v3 =	vadd.s32 v1, v3  }
0x14e: {  	[tilespmem:s9], [sflag:$0x1] =	stream.indirect_vreg.gather [hbm4b:s3+s2], $0x80, v4, vm0, $0xb8;
	[tilespmem:$0x18200] =	vst v63  }
0x14f: {  	_ = 	snop  }
0x150: {  	[tilespmem:s10], [sflag:$0x1] =	stream.indirect_vreg.gather [hbm4b:s5+s2], $0x80, v4, vm1, $0xb8;
	[tilespmem:$0x18200] =	vst v63  }
0x151: {  	_ = 	snop  }
0x152: {  	[tilespmem:s11], [sflag:$0x1] =	stream.indirect_vreg.gather [hbm4b:s3+s2], $0x80, v3, vm0, $0xb8;
	[tilespmem:$0x18200] =	vst v63  }
0x153: {  	_ = 	snop  }
0x154: {  	[tilespmem:s12], [sflag:$0x1] =	stream.indirect_vreg.gather [hbm4b:s5+s2], $0x80, v3, vm1, $0xb8;
	[tilespmem:$0x18200] =	vst v63  }
0x155: {  	v3 =	vld [tilespmem:$0x130];
	_ =	sdelay $0x4  }
0x156: {  	v51 =	vshrl.u32 v3, $0x3  }
0x157: {  	v4 =	vmul.u32 $0x18, v51  }
0x158: {  	v3 =	vand.u32 $0x7, v3  }
0x159: {  	v3 =	vor.u32 v3, v4  }
0x15a: {  	v4 =	vperm.xlane v3, v0;
	_ =	sdelay $0x1  }
0x15b: {  	v4 =	vadd.s32 v1, v4;
	_ =	sdelay $0x1  }
0x15c: {  	v3 =	vperm.xlane v3, v2;
	_ =	sdelay $0x1  }
0x15d: {  	v3 =	vadd.s32 v1, v3  }
0x15e: {  	[tilespmem:s13], [sflag:$0x1] =	stream.indirect_vreg.gather [hbm4b:s3+s2], $0x80, v4, vm0, $0xb8;
	[tilespmem:$0x18200] =	vst v63  }
0x15f: {  	_ = 	snop  }
0x160: {  	[tilespmem:s14], [sflag:$0x1] =	stream.indirect_vreg.gather [hbm4b:s5+s2], $0x80, v4, vm1, $0xb8;
	[tilespmem:$0x18200] =	vst v63  }
0x161: {  	_ = 	snop  }
0x162: {  	[tilespmem:s15], [sflag:$0x1] =	stream.indirect_vreg.gather [hbm4b:s3+s2], $0x80, v3, vm0, $0xb8;
	[tilespmem:$0x18200] =	vst v63  }
0x163: {  	_ = 	snop  }
0x164: {  	[tilespmem:s18], [sflag:$0x1] =	stream.indirect_vreg.gather [hbm4b:s5+s2], $0x80, v3, vm1, $0xb8;
	[tilespmem:$0x18200] =	vst v63  }
0x165: {  	v3 =	vld [tilespmem:$0x140];
	_ =	sdelay $0x4  }
0x166: {  	v52 =	vshrl.u32 v3, $0x3  }
0x167: {  	v4 =	vmul.u32 $0x18, v52  }
0x168: {  	v3 =	vand.u32 $0x7, v3  }
0x169: {  	v3 =	vor.u32 v3, v4  }
0x16a: {  	v4 =	vperm.xlane v3, v0;
	_ =	sdelay $0x1  }
0x16b: {  	v4 =	vadd.s32 v1, v4;
	_ =	sdelay $0x1  }
0x16c: {  	v3 =	vperm.xlane v3, v2;
	_ =	sdelay $0x1  }
0x16d: {  	v3 =	vadd.s32 v1, v3  }
0x16e: {  	[tilespmem:s4], [sflag:$0x1] =	stream.indirect_vreg.gather [hbm4b:s3+s2], $0x80, v4, vm0, $0xb8;
	[tilespmem:$0x18200] =	vst v63  }
0x16f: {  	_ = 	snop  }
0x170: {  	[tilespmem:s19], [sflag:$0x1] =	stream.indirect_vreg.gather [hbm4b:s5+s2], $0x80, v4, vm1, $0xb8;
	[tilespmem:$0x18200] =	vst v63  }
0x171: {  	_ = 	snop  }
0x172: {  	[tilespmem:s20], [sflag:$0x1] =	stream.indirect_vreg.gather [hbm4b:s3+s2], $0x80, v3, vm0, $0xb8;
	[tilespmem:$0x18200] =	vst v63  }
0x173: {  	_ = 	snop  }
0x174: {  	[tilespmem:s21], [sflag:$0x1] =	stream.indirect_vreg.gather [hbm4b:s5+s2], $0x80, v3, vm1, $0xb8;
	[tilespmem:$0x18200] =	vst v63  }
0x175: {  	v3 =	vld [tilespmem:$0x150];
	_ =	sdelay $0x4  }
0x176: {  	v53 =	vshrl.u32 v3, $0x3  }
0x177: {  	v4 =	vmul.u32 $0x18, v53  }
0x178: {  	v3 =	vand.u32 $0x7, v3  }
0x179: {  	v3 =	vor.u32 v3, v4  }
0x17a: {  	v4 =	vperm.xlane v3, v0;
	_ =	sdelay $0x1  }
0x17b: {  	v4 =	vadd.s32 v1, v4;
	_ =	sdelay $0x1  }
0x17c: {  	v3 =	vperm.xlane v3, v2;
	_ =	sdelay $0x1  }
0x17d: {  	v3 =	vadd.s32 v1, v3  }
0x17e: {  	[tilespmem:s22], [sflag:$0x1] =	stream.indirect_vreg.gather [hbm4b:s3+s2], $0x80, v4, vm0, $0xb8;
	[tilespmem:$0x18200] =	vst v63  }
0x17f: {  	_ = 	snop  }
0x180: {  	[tilespmem:s23], [sflag:$0x1] =	stream.indirect_vreg.gather [hbm4b:s5+s2], $0x80, v4, vm1, $0xb8;
	[tilespmem:$0x18200] =	vst v63  }
0x181: {  	_ = 	snop  }
0x182: {  	[tilespmem:s24], [sflag:$0x1] =	stream.indirect_vreg.gather [hbm4b:s3+s2], $0x80, v3, vm0, $0xb8;
	[tilespmem:$0x18200] =	vst v63  }
0x183: {  	_ = 	snop  }
0x184: {  	[tilespmem:s8], [sflag:$0x1] =	stream.indirect_vreg.gather [hbm4b:s5+s2], $0x80, v3, vm1, $0xb8;
	[tilespmem:$0x18200] =	vst v63  }
0x185: {  	v3 =	vld [tilespmem:$0x160];
	_ =	sdelay $0x4  }
0x186: {  	v54 =	vshrl.u32 v3, $0x3  }
0x187: {  	v4 =	vmul.u32 $0x18, v54  }
0x188: {  	v3 =	vand.u32 $0x7, v3  }
0x189: {  	v3 =	vor.u32 v3, v4  }
0x18a: {  	v4 =	vperm.xlane v3, v0;
	_ =	sdelay $0x1  }
0x18b: {  	v4 =	vadd.s32 v1, v4;
	_ =	sdelay $0x1  }
0x18c: {  	v3 =	vperm.xlane v3, v2;
	_ =	sdelay $0x1  }
0x18d: {  	v3 =	vadd.s32 v1, v3  }
0x18e: {  	[tilespmem:s17], [sflag:$0x1] =	stream.indirect_vreg.gather [hbm4b:s3+s2], $0x80, v4, vm0, $0xb8;
	[tilespmem:$0x18200] =	vst v63  }
0x18f: {  	s25 =	simm.s32 $0x9A00  }
0x190: {  	[tilespmem:s25], [sflag:$0x1] =	stream.indirect_vreg.gather [hbm4b:s5+s2], $0x80, v4, vm1, $0xb8;
	[tilespmem:$0x18200] =	vst v63  }
0x191: {  	s25 =	simm.s32 $0x9E00  }
0x192: {  	[tilespmem:s25], [sflag:$0x1] =	stream.indirect_vreg.gather [hbm4b:s3+s2], $0x80, v3, vm0, $0xb8;
	[tilespmem:$0x18200] =	vst v63  }
0x193: {  	s25 =	simm.s32 $0xA600  }
0x194: {  	[tilespmem:s25], [sflag:$0x1] =	stream.indirect_vreg.gather [hbm4b:s5+s2], $0x80, v3, vm1, $0xb8;
	[tilespmem:$0x18200] =	vst v63  }
0x195: {  	v3 =	vld [tilespmem:$0x170];
	_ =	sdelay $0x4  }
0x196: {  	v55 =	vshrl.u32 v3, $0x3  }
0x197: {  	v4 =	vmul.u32 $0x18, v55  }
0x198: {  	v3 =	vand.u32 $0x7, v3  }
0x199: {  	v3 =	vor.u32 v3, v4  }
0x19a: {  	v4 =	vperm.xlane v3, v0;
	_ =	sdelay $0x1  }
0x19b: {  	v4 =	vadd.s32 v1, v4;
	_ =	sdelay $0x1  }
0x19c: {  	v3 =	vperm.xlane v3, v2;
	_ =	sdelay $0x1  }
0x19d: {  	s25 =	simm.s32 $0xAA00;
	v3 =	vadd.s32 v1, v3  }
0x19e: {  	[tilespmem:s25], [sflag:$0x1] =	stream.indirect_vreg.gather [hbm4b:s3+s2], $0x80, v4, vm0, $0xb8;
	[tilespmem:$0x18200] =	vst v63  }
0x19f: {  	s25 =	simm.s32 $0xB200  }
0x1a0: {  	[tilespmem:s25], [sflag:$0x1] =	stream.indirect_vreg.gather [hbm4b:s5+s2], $0x80, v4, vm1, $0xb8;
	[tilespmem:$0x18200] =	vst v63  }
0x1a1: {  	s25 =	simm.s32 $0xB600  }
0x1a2: {  	[tilespmem:s25], [sflag:$0x1] =	stream.indirect_vreg.gather [hbm4b:s3+s2], $0x80, v3, vm0, $0xb8;
	[tilespmem:$0x18200] =	vst v63  }
0x1a3: {  	s0 =	simm.s32 $0xBE00  }
0x1a4: {  	[tilespmem:s0], [sflag:$0x1] =	stream.indirect_vreg.gather [hbm4b:s5+s2], $0x80, v3, vm1, $0xb8;
	[tilespmem:$0x18200] =	vst v63  }
0x1a5: {  	s25 =	rddreg [dreg:$0x4]  }
0x1a6: {  	[hbm4b:s25+s2] =	stream.linear.scatter [tilespmem:s1], [sflag:$0x2], $0xC000, $0x38;
	[tilespmem:$0x18200] =	vst v63  }
0x1a7: {  	_ =	swait.ge [sflag:s7], $0xC000  }
0x1a8: {  	[sflag:s7] =	ssyncset.done $0x0  }
0x1a9: {  	[sflag:s7] =	ssyncadd.s32 $0xFFFF4000  }
0x1aa: {  	_ =	swait.ge [sflag:s16], $0xC000  }
0x1ab: {  	[sflag:s16] =	ssyncset.done $0x0  }
0x1ac: {  	[sflag:s16] =	ssyncadd.s32 $0xFFFF4000  }
0x1ad: {  	v3 =	vld [tilespmem:$0x180];
	_ =	sdelay $0x4  }
0x1ae: {  	v56 =	vshrl.u32 v3, $0x3  }
0x1af: {  	v4 =	vmul.u32 $0x18, v56  }
0x1b0: {  	v3 =	vand.u32 $0x7, v3  }
0x1b1: {  	v3 =	vor.u32 v3, v4  }
0x1b2: {  	v4 =	vperm.xlane v3, v0;
	_ =	sdelay $0x1  }
0x1b3: {  	v4 =	vadd.s32 v1, v4;
	_ =	sdelay $0x1  }
0x1b4: {  	v3 =	vperm.xlane v3, v2;
	_ =	sdelay $0x1  }
0x1b5: {  	v3 =	vadd.s32 v1, v3  }
0x1b6: {  	[tilespmem:s1], [sflag:$0x1] =	stream.indirect_vreg.gather [hbm4b:s3+s2], $0x80, v4, vm0, $0xb8;
	[tilespmem:$0x18200] =	vst v63  }
0x1b7: {  	s25 =	simm.s32 $0xCA00  }
0x1b8: {  	[tilespmem:s25], [sflag:$0x1] =	stream.indirect_vreg.gather [hbm4b:s5+s2], $0x80, v4, vm1, $0xb8;
	[tilespmem:$0x18200] =	vst v63  }
0x1b9: {  	s25 =	simm.s32 $0xCE00  }
0x1ba: {  	[tilespmem:s25], [sflag:$0x1] =	stream.indirect_vreg.gather [hbm4b:s3+s2], $0x80, v3, vm0, $0xb8;
	[tilespmem:$0x18200] =	vst v63  }
0x1bb: {  	s25 =	simm.s32 $0xD600  }
0x1bc: {  	[tilespmem:s25], [sflag:$0x1] =	stream.indirect_vreg.gather [hbm4b:s5+s2], $0x80, v3, vm1, $0xb8;
	[tilespmem:$0x18200] =	vst v63  }
0x1bd: {  	v3 =	vld [tilespmem:$0x190];
	_ =	sdelay $0x4  }
0x1be: {  	v57 =	vshrl.u32 v3, $0x3  }
0x1bf: {  	v4 =	vmul.u32 $0x18, v57  }
0x1c0: {  	v3 =	vand.u32 $0x7, v3  }
0x1c1: {  	v3 =	vor.u32 v3, v4  }
0x1c2: {  	v4 =	vperm.xlane v3, v0;
	_ =	sdelay $0x1  }
0x1c3: {  	v4 =	vadd.s32 v1, v4;
	_ =	sdelay $0x1  }
0x1c4: {  	v3 =	vperm.xlane v3, v2;
	_ =	sdelay $0x1  }
0x1c5: {  	s25 =	simm.s32 $0xDA00;
	v3 =	vadd.s32 v1, v3  }
0x1c6: {  	[tilespmem:s25], [sflag:$0x1] =	stream.indirect_vreg.gather [hbm4b:s3+s2], $0x80, v4, vm0, $0xb8;
	[tilespmem:$0x18200] =	vst v63  }
0x1c7: {  	s25 =	simm.s32 $0xE200  }
0x1c8: {  	[tilespmem:s25], [sflag:$0x1] =	stream.indirect_vreg.gather [hbm4b:s5+s2], $0x80, v4, vm1, $0xb8;
	[tilespmem:$0x18200] =	vst v63  }
0x1c9: {  	s25 =	simm.s32 $0xE600  }
0x1ca: {  	[tilespmem:s25], [sflag:$0x1] =	stream.indirect_vreg.gather [hbm4b:s3+s2], $0x80, v3, vm0, $0xb8;
	[tilespmem:$0x18200] =	vst v63  }
0x1cb: {  	s25 =	simm.s32 $0xEE00  }
0x1cc: {  	[tilespmem:s25], [sflag:$0x1] =	stream.indirect_vreg.gather [hbm4b:s5+s2], $0x80, v3, vm1, $0xb8;
	[tilespmem:$0x18200] =	vst v63  }
0x1cd: {  	v3 =	vld [tilespmem:$0x1A0];
	_ =	sdelay $0x4  }
0x1ce: {  	v58 =	vshrl.u32 v3, $0x3  }
0x1cf: {  	v4 =	vmul.u32 $0x18, v58  }
0x1d0: {  	v3 =	vand.u32 $0x7, v3  }
0x1d1: {  	v3 =	vor.u32 v3, v4  }
0x1d2: {  	v4 =	vperm.xlane v3, v0;
	_ =	sdelay $0x1  }
0x1d3: {  	v4 =	vadd.s32 v1, v4;
	_ =	sdelay $0x1  }
0x1d4: {  	v3 =	vperm.xlane v3, v2;
	_ =	sdelay $0x1  }
0x1d5: {  	s25 =	simm.s32 $0xF200;
	v3 =	vadd.s32 v1, v3  }
0x1d6: {  	[tilespmem:s25], [sflag:$0x1] =	stream.indirect_vreg.gather [hbm4b:s3+s2], $0x80, v4, vm0, $0xb8;
	[tilespmem:$0x18200] =	vst v63  }
0x1d7: {  	s25 =	simm.s32 $0xFA00  }
0x1d8: {  	[tilespmem:s25], [sflag:$0x1] =	stream.indirect_vreg.gather [hbm4b:s5+s2], $0x80, v4, vm1, $0xb8;
	[tilespmem:$0x18200] =	vst v63  }
0x1d9: {  	s25 =	simm.s32 $0xFE00  }
0x1da: {  	[tilespmem:s25], [sflag:$0x1] =	stream.indirect_vreg.gather [hbm4b:s3+s2], $0x80, v3, vm0, $0xb8;
	[tilespmem:$0x18200] =	vst v63  }
0x1db: {  	s25 =	simm.s32 $0x10600  }
0x1dc: {  	[tilespmem:s25], [sflag:$0x1] =	stream.indirect_vreg.gather [hbm4b:s5+s2], $0x80, v3, vm1, $0xb8;
	[tilespmem:$0x18200] =	vst v63  }
0x1dd: {  	v3 =	vld [tilespmem:$0x1B0];
	_ =	sdelay $0x4  }
0x1de: {  	v59 =	vshrl.u32 v3, $0x3  }
0x1df: {  	v4 =	vmul.u32 $0x18, v59  }
0x1e0: {  	v3 =	vand.u32 $0x7, v3  }
0x1e1: {  	v3 =	vor.u32 v3, v4  }
0x1e2: {  	v4 =	vperm.xlane v3, v0;
	_ =	sdelay $0x1  }
0x1e3: {  	v4 =	vadd.s32 v1, v4;
	_ =	sdelay $0x1  }
0x1e4: {  	v3 =	vperm.xlane v3, v2;
	_ =	sdelay $0x1  }
0x1e5: {  	s25 =	simm.s32 $0x10A00;
	v3 =	vadd.s32 v1, v3  }
0x1e6: {  	[tilespmem:s25], [sflag:$0x1] =	stream.indirect_vreg.gather [hbm4b:s3+s2], $0x80, v4, vm0, $0xb8;
	[tilespmem:$0x18200] =	vst v63  }
0x1e7: {  	s25 =	simm.s32 $0x11200  }
0x1e8: {  	[tilespmem:s25], [sflag:$0x1] =	stream.indirect_vreg.gather [hbm4b:s5+s2], $0x80, v4, vm1, $0xb8;
	[tilespmem:$0x18200] =	vst v63  }
0x1e9: {  	s25 =	simm.s32 $0x11600  }
0x1ea: {  	[tilespmem:s25], [sflag:$0x1] =	stream.indirect_vreg.gather [hbm4b:s3+s2], $0x80, v3, vm0, $0xb8;
	[tilespmem:$0x18200] =	vst v63  }
0x1eb: {  	s25 =	simm.s32 $0x11E00  }
0x1ec: {  	[tilespmem:s25], [sflag:$0x1] =	stream.indirect_vreg.gather [hbm4b:s5+s2], $0x80, v3, vm1, $0xb8;
	[tilespmem:$0x18200] =	vst v63  }
0x1ed: {  	v3 =	vld [tilespmem:$0x1C0];
	_ =	sdelay $0x4  }
0x1ee: {  	v60 =	vshrl.u32 v3, $0x3  }
0x1ef: {  	v4 =	vmul.u32 $0x18, v60  }
0x1f0: {  	v3 =	vand.u32 $0x7, v3  }
0x1f1: {  	v3 =	vor.u32 v3, v4  }
0x1f2: {  	v4 =	vperm.xlane v3, v0;
	_ =	sdelay $0x1  }
0x1f3: {  	v4 =	vadd.s32 v1, v4;
	_ =	sdelay $0x1  }
0x1f4: {  	v3 =	vperm.xlane v3, v2;
	_ =	sdelay $0x1  }
0x1f5: {  	s25 =	simm.s32 $0x12200;
	v3 =	vadd.s32 v1, v3  }
0x1f6: {  	[tilespmem:s25], [sflag:$0x1] =	stream.indirect_vreg.gather [hbm4b:s3+s2], $0x80, v4, vm0, $0xb8;
	[tilespmem:$0x18200] =	vst v63  }
0x1f7: {  	s25 =	simm.s32 $0x12A00  }
0x1f8: {  	[tilespmem:s25], [sflag:$0x1] =	stream.indirect_vreg.gather [hbm4b:s5+s2], $0x80, v4, vm1, $0xb8;
	[tilespmem:$0x18200] =	vst v63  }
0x1f9: {  	s25 =	simm.s32 $0x12E00  }
0x1fa: {  	[tilespmem:s25], [sflag:$0x1] =	stream.indirect_vreg.gather [hbm4b:s3+s2], $0x80, v3, vm0, $0xb8;
	[tilespmem:$0x18200] =	vst v63  }
0x1fb: {  	s25 =	simm.s32 $0x13600  }
0x1fc: {  	[tilespmem:s25], [sflag:$0x1] =	stream.indirect_vreg.gather [hbm4b:s5+s2], $0x80, v3, vm1, $0xb8;
	[tilespmem:$0x18200] =	vst v63  }
0x1fd: {  	v3 =	vld [tilespmem:$0x1D0];
	_ =	sdelay $0x4  }
0x1fe: {  	v61 =	vshrl.u32 v3, $0x3  }
0x1ff: {  	v4 =	vmul.u32 $0x18, v61  }
0x200: {  	v3 =	vand.u32 $0x7, v3  }
0x201: {  	v3 =	vor.u32 v3, v4  }
0x202: {  	v4 =	vperm.xlane v3, v0;
	_ =	sdelay $0x1  }
0x203: {  	v4 =	vadd.s32 v1, v4;
	_ =	sdelay $0x1  }
0x204: {  	v3 =	vperm.xlane v3, v2;
	_ =	sdelay $0x1  }
0x205: {  	s25 =	simm.s32 $0x13A00;
	v3 =	vadd.s32 v1, v3  }
0x206: {  	[tilespmem:s25], [sflag:$0x1] =	stream.indirect_vreg.gather [hbm4b:s3+s2], $0x80, v4, vm0, $0xb8;
	[tilespmem:$0x18200] =	vst v63  }
0x207: {  	s25 =	simm.s32 $0x14200  }
0x208: {  	[tilespmem:s25], [sflag:$0x1] =	stream.indirect_vreg.gather [hbm4b:s5+s2], $0x80, v4, vm1, $0xb8;
	[tilespmem:$0x18200] =	vst v63  }
0x209: {  	s25 =	simm.s32 $0x14600  }
0x20a: {  	[tilespmem:s25], [sflag:$0x1] =	stream.indirect_vreg.gather [hbm4b:s3+s2], $0x80, v3, vm0, $0xb8;
	[tilespmem:$0x18200] =	vst v63  }
0x20b: {  	s25 =	simm.s32 $0x14E00  }
0x20c: {  	[tilespmem:s25], [sflag:$0x1] =	stream.indirect_vreg.gather [hbm4b:s5+s2], $0x80, v3, vm1, $0xb8;
	[tilespmem:$0x18200] =	vst v63  }
0x20d: {  	v3 =	vld [tilespmem:$0x1E0];
	_ =	sdelay $0x4  }
0x20e: {  	v62 =	vshrl.u32 v3, $0x3  }
0x20f: {  	v4 =	vmul.u32 $0x18, v62  }
0x210: {  	v3 =	vand.u32 $0x7, v3  }
0x211: {  	v3 =	vor.u32 v3, v4  }
0x212: {  	v4 =	vperm.xlane v3, v0;
	_ =	sdelay $0x1  }
0x213: {  	v4 =	vadd.s32 v1, v4;
	_ =	sdelay $0x1  }
0x214: {  	v3 =	vperm.xlane v3, v2;
	_ =	sdelay $0x1  }
0x215: {  	s25 =	simm.s32 $0x15200;
	v3 =	vadd.s32 v1, v3  }
0x216: {  	[tilespmem:s25], [sflag:$0x1] =	stream.indirect_vreg.gather [hbm4b:s3+s2], $0x80, v4, vm0, $0xb8;
	[tilespmem:$0x18200] =	vst v63  }
0x217: {  	s25 =	simm.s32 $0x15A00  }
0x218: {  	[tilespmem:s25], [sflag:$0x1] =	stream.indirect_vreg.gather [hbm4b:s5+s2], $0x80, v4, vm1, $0xb8;
	[tilespmem:$0x18200] =	vst v63  }
0x219: {  	s25 =	simm.s32 $0x15E00  }
0x21a: {  	[tilespmem:s25], [sflag:$0x1] =	stream.indirect_vreg.gather [hbm4b:s3+s2], $0x80, v3, vm0, $0xb8;
	[tilespmem:$0x18200] =	vst v63  }
0x21b: {  	s25 =	simm.s32 $0x16600  }
0x21c: {  	[tilespmem:s25], [sflag:$0x1] =	stream.indirect_vreg.gather [hbm4b:s5+s2], $0x80, v3, vm1, $0xb8;
	[tilespmem:$0x18200] =	vst v63  }
0x21d: {  	v3 =	vld [tilespmem:$0x1F0];
	_ =	sdelay $0x4  }
0x21e: {  	v63 =	vshrl.u32 v3, $0x3  }
0x21f: {  	v4 =	vmul.u32 $0x18, v63  }
0x220: {  	v3 =	vand.u32 $0x7, v3  }
0x221: {  	v3 =	vor.u32 v3, v4  }
0x222: {  	v4 =	vperm.xlane v3, v0;
	_ =	sdelay $0x1  }
0x223: {  	v4 =	vadd.s32 v1, v4;
	_ =	sdelay $0x1  }
0x224: {  	v3 =	vperm.xlane v3, v2;
	_ =	sdelay $0x1  }
0x225: {  	s25 =	simm.s32 $0x16A00;
	v3 =	vadd.s32 v1, v3  }
0x226: {  	[tilespmem:s25], [sflag:$0x1] =	stream.indirect_vreg.gather [hbm4b:s3+s2], $0x80, v4, vm0, $0xb8;
	[tilespmem:$0x18200] =	vst v63  }
0x227: {  	s25 =	simm.s32 $0x17200  }
0x228: {  	[tilespmem:s25], [sflag:$0x1] =	stream.indirect_vreg.gather [hbm4b:s5+s2], $0x80, v4, vm1, $0xb8;
	[tilespmem:$0x18200] =	vst v63  }
0x229: {  	s25 =	simm.s32 $0x17600  }
0x22a: {  	[tilespmem:s25], [sflag:$0x1] =	stream.indirect_vreg.gather [hbm4b:s3+s2], $0x80, v3, vm0, $0xb8;
	[tilespmem:$0x18200] =	vst v63  }
0x22b: {  	s0 =	simm.s32 $0x17E00  }
0x22c: {  	[tilespmem:s0], [sflag:$0x1] =	stream.indirect_vreg.gather [hbm4b:s5+s2], $0x80, v3, vm1, $0xb8;
	[tilespmem:$0x18200] =	vst v63  }
0x22d: {  	s25 =	rddreg [dreg:$0x5];
	s0 =	simm.s32 $0x200  }
0x22e: {  	[hbm4b:s25+s2] =	stream.linear.scatter [tilespmem:s0], [sflag:$0x2], $0xC000, $0x38;
	[tilespmem:$0x18200] =	vst v63  }
0x22f: {  	_ =	swait.ge [sflag:s7], $0xC000  }
0x230: {  	[sflag:s7] =	ssyncset.done $0x0  }
0x231: {  	[sflag:s7] =	ssyncadd.s32 $0xFFFF4000  }
0x232: {  	_ =	swait.ge [sflag:s16], $0xC000  }
0x233: {  	p0 =	sne.s32 s6, $0x1;
	[sflag:s16] =	ssyncset.done $0x0  }
.Ltmp0:
0x234: {  	s0 =	rddreg [dreg:$0x6];
	[sflag:s16] =	ssyncadd.s32 $0xFFFF4000;
	(pc) =	sbr.rel @p0 .LBB2_1-.Ltmp0, $4  }
0x235: {  	[hbm4b:s0+s2] =	stream.linear.scatter [tilespmem:s1], [sflag:$0x2], $0xC000, $0x38;
	[tilespmem:$0x18200] =	vst v63  }
0x236: {  	_ =	swait.ge [sflag:s7], $0xC000  }
0x237: {  	[sflag:s7] =	ssyncset.done $0x0  }
0x238: {  	s6 =	sadd.s32 $0xFFFFFFFF, s6;
	[sflag:s7] =	ssyncadd.s32 $0xFFFF4000  }
0x239: {  	_ =	sfence.sel $0x180000  }
0x23a: {  	[bflag:$0x0] =	sbarrier.arrive $0xFFFF  }
0x23b: {  	_ =	strace $0x90000047  }
0x23c: {  	s0 =	stileid.u32;
	[bflag:$0x2] =	sbarrier.arrive $0xFFFF  }
0x23d: {  	p0 =	sne.s32 s0, $0x0;
	s0 =	rddreg [dreg:$0x2]  }
0x23e: {  	s0 =	sadd.s32 @!p0 $0x100000, s0  }
0x23f: {  	[sflag:s0] =	ssyncadd.tile.s32 @!p0 $0x1;
	_ =	shalt  }
.Lfunc_end2:
_tile_overlayer_lowered:
.L_overlay_start_2:
0x240: {  	(tag) =	ssettag $0x2  }
0x241: {  	s0 =	rddreg [dreg:$0x0];
	s2 =	stileid.u32  }
0x242: {  	s1 =	rddreg [dreg:$0x1];
	p0 =	sne.s32 s2, $0x0  }
0x243: {  	s3 =	rddreg [dreg:$0x2];
	[bflag:$0x3] =	sbarrier.arrive $0xFFFF;
	s2 =	simm.s32 @!p0 $0x1C02  }
0x244: {  	[timem:s3], [sflag:s2] =	dma.local @!p0 [hbm:s0], s1  }
0x245: {  	s0 =	simm.s32 @!p0 $0x2  }
0x246: {  	_ =	swait.ge @!p0 [sflag:s0], s1  }
0x247: {  	s1 =	ssub.s32 @!p0 $0x0, s1;
	[sflag:s0] =	ssyncset.done @!p0 $0x0  }
0x248: {  	[sflag:s0] =	ssyncadd.s32 @!p0 s1  }
0x249: {  	[bflag:$0x3] =	sbarrier.arrive $0xFFFF  }
0x24a: {  	_ =	shalt  }

</sc_bundles>
